<compile_context>
chip_gen: v7x
topology: tpu7x:2x2x1
jax: 0.10.2.dev20260603
libtpu: 0.0.44.dev20260713+nightly
codegen_flags: <defaults>
</compile_context>

<pallas_src>
import functools

import jax
import jax.numpy as jnp
from jax import lax
from jax.experimental import pallas as pl
from jax.experimental.pallas import tpu as pltpu
from jax.experimental.pallas import tpu_sc as plsc

V, H, B, W = 100000, 32, 1024, 20

NC, NS = 2, 16
NW = NC * NS
LANES = 16
BCHUNK = 256

LOG2E = 1.4426950408889634

TV = 2560
STEPS = -(-V // TV)
V_TAIL = V - (STEPS - 1) * TV


def _sc_gather(in_t, out_t, ctx_t, ctr):
    mesh = plsc.VectorSubcoreMesh(core_axis_name="c", subcore_axis_name="s")

    @functools.partial(
        pl.kernel,
        mesh=mesh,
        out_type=(
            jax.ShapeDtypeStruct((H, B), jnp.float32),
            jax.ShapeDtypeStruct((H, B), jnp.float32),
        ),
        scratch_types=[
            pltpu.VMEM((V,), jnp.float32),
            pltpu.VMEM((W, BCHUNK), jnp.int32),
            pltpu.VMEM((B,), jnp.int32),
            pltpu.VMEM((B,), jnp.float32),
            pltpu.VMEM((B,), jnp.float32),
        ],
        compiler_params=pltpu.CompilerParams(
            use_tc_tiling_on_sc=True, needs_layout_passes=False),
    )
    def k(in_hbm, out_hbm, ctx_hbm, ctr_hbm, cm_hbm, pp_hbm,
          row_v, idx_v, cidx_v, cm_v, pp_v):
        sid = lax.axis_index("s") * NC + lax.axis_index("c")

        pltpu.sync_copy(in_hbm.at[sid], row_v)
        for c in range(B // BCHUNK):
            pltpu.sync_copy(ctx_hbm.at[:, pl.ds(c * BCHUNK, BCHUNK)], idx_v)

            @pl.loop(0, BCHUNK, step=LANES)
            def _(b0):
                acc = jnp.zeros((LANES,), jnp.float32)
                for w in range(W):
                    acc = acc + plsc.load_gather(
                        row_v, [idx_v[w, pl.ds(b0, LANES)]])
                cm_v[pl.ds(c * BCHUNK + b0, LANES)] = acc

        pltpu.sync_copy(out_hbm.at[sid], row_v)
        pltpu.sync_copy(ctr_hbm, cidx_v)

        @pl.loop(0, B, step=LANES)
        def _(b0):
            ce = plsc.load_gather(row_v, [cidx_v[pl.ds(b0, LANES)]])
            pp_v[pl.ds(b0, LANES)] = ce * cm_v[pl.ds(b0, LANES)]

        pltpu.sync_copy(cm_v, cm_hbm.at[sid])
        pltpu.sync_copy(pp_v, pp_hbm.at[sid])

    return k(in_t, out_t, ctx_t, ctr)


def _tc_body(cmt_ref, pp_ref, emb_ref, out_ref, acc_ref, cmtb_ref, cs_ref):
    i = pl.program_id(0)

    @pl.when(i == 0)
    def _init():
        cs_ref[...] = jnp.sum(pp_ref[...], axis=0, keepdims=True) * (1.0 / W)
        cmtb_ref[...] = (cmt_ref[...] * (LOG2E / W)).astype(jnp.bfloat16)
        acc_ref[...] = jnp.zeros((1, B), jnp.float32)

    cols = lax.broadcasted_iota(jnp.int32, (H, TV), 1)
    tile = jnp.where(cols < V - i * TV, emb_ref[...], 0.0)
    logits2 = lax.dot_general(
        tile.astype(jnp.bfloat16), cmtb_ref[...],
        (((0,), (0,)), ((), ())),
        preferred_element_type=jnp.float32,
    )
    e = jnp.exp2(logits2.astype(jnp.bfloat16))
    acc_ref[...] += jnp.sum(e.astype(jnp.float32), axis=0, keepdims=True)

    @pl.when(i == pl.num_programs(0) - 1)
    def _fin():
        pad = jnp.float32(STEPS * TV - V)
        out_ref[...] = jnp.log(acc_ref[...] - pad) - cs_ref[...]


def _tc_loss(cmt, pp, out_t):
    return pl.pallas_call(
        _tc_body,
        grid=(STEPS,),
        in_specs=[
            pl.BlockSpec((H, B), lambda i: (0, 0)),
            pl.BlockSpec((H, B), lambda i: (0, 0)),
            pl.BlockSpec((H, TV), lambda i: (0, i)),
        ],
        out_specs=pl.BlockSpec((1, B), lambda i: (0, 0)),
        out_shape=jax.ShapeDtypeStruct((1, B), jnp.float32),
        scratch_shapes=[
            pltpu.VMEM((1, B), jnp.float32),
            pltpu.VMEM((H, B), jnp.bfloat16),
            pltpu.VMEM((1, B), jnp.float32),
        ],
        compiler_params=pltpu.CompilerParams(
            dimension_semantics=("arbitrary",),
        ),
    )(cmt, pp, out_t)


def kernel(contexts, center, in_emb, out_emb):
    ctx_t = contexts.astype(jnp.int32).T
    ctr = center.astype(jnp.int32)
    in_t = in_emb.T
    out_t = out_emb.T
    cmt, pp = _sc_gather(in_t, out_t, ctx_t, ctr)
    out = _tc_loss(cmt, pp, out_t)
    return out.reshape(B)

# --- scband reference (transcript-rebuilt; emitter-appended) ---
"""Pipeline reference for scband-cbow-model-45629732553086 (READ-ONLY COPY).

The authoritative reference and input builder live on the scoring server;
editing this copy changes nothing except your own understanding.
"""

import jax, jax.numpy as jnp
import numpy as np

V, H, B, W = 100000, 32, 1024, 20

def setup_inputs(seed: int = 0) -> dict:
    key = jax.random.key(seed)
    k1, k2, k3, k4 = jax.random.split(key, 4)
    contexts = jax.random.randint(k1, (B, W), 0, V)
    center = jax.random.randint(k2, (B,), 0, V)
    in_emb = jax.random.normal(k3, (V, H), dtype=jnp.float32) * 0.02
    out_emb = jax.random.normal(k4, (V, H), dtype=jnp.float32) * 0.02
    return {"contexts": contexts, "center": center, "in_emb": in_emb, "out_emb": out_emb}

def reference(contexts, center, in_emb, out_emb):
    # context embeddings: gather from in_emb
    context_emb = jnp.take(in_emb, contexts, axis=0)            # [B, W, H]
    # center embedding: gather from out_emb, add singleton dim (center[:, newaxis])
    center_emb = jnp.take(out_emb, center, axis=0)[:, None, :]  # [B, 1, H]
    context_mean = jnp.mean(context_emb, axis=1, keepdims=True)  # [B, 1, H]
    # positive score: batched dot product
    center_context_mul = jnp.squeeze(
        jnp.matmul(center_emb, jnp.swapaxes(context_mean, 1, 2))
    )  # [B]
    # full-vocab logits via out_emb table (out_emb(arange(V)))
    vocab_words_emb = out_emb                                    # [V, H]
    vocab_context_mul = jnp.matmul(context_mean, vocab_words_emb.T)  # [B, 1, V]
    vocab_context_logsumexp = jnp.squeeze(
        jax.scipy.special.logsumexp(vocab_context_mul, axis=2, keepdims=True)
    )  # [B]
    loss = -(center_context_mul - vocab_context_logsumexp)
    return loss

if __name__ == "__main__":
    import jax
    _d = setup_inputs()
    print(jax.jit(kernel)(*tuple(_d.values())))

</pallas_src>

<mosaic_0001>
#map = affine_map<(d0, d1) -> (0, 0)>
#map1 = affine_map<(d0, d1) -> (0)>
module attributes {stable_mosaic.version = 14 : i64} {
  func.func @k(%arg0: i32, %arg1: i32, %arg2: memref<32x100000xf32, #tpu.memory_space<hbm>>, %arg3: memref<32x100000xf32, #tpu.memory_space<hbm>>, %arg4: memref<20x1024xi32, #tpu.memory_space<hbm>>, %arg5: memref<1024xi32, #tpu.memory_space<hbm>>, %arg6: memref<32x1024xf32, #tpu.memory_space<hbm>>, %arg7: memref<32x1024xf32, #tpu.memory_space<hbm>>, %arg8: memref<100000xf32, #tpu.memory_space<vmem>>, %arg9: memref<20x256xi32, #tpu.memory_space<vmem>>, %arg10: memref<1024xi32, #tpu.memory_space<vmem>>, %arg11: memref<1024xf32, #tpu.memory_space<vmem>>, %arg12: memref<1024xf32, #tpu.memory_space<vmem>>) attributes {dimension_semantics = [#tpu.dimension_semantics<core_parallel>, #tpu.dimension_semantics<subcore_parallel>], iteration_bounds = array<i64: 2, 16>, scalar_prefetch = 0 : i64, scratch_operands = 5 : i64, tpu.core_type = #tpu.core_type<sc_vector_subcore>, window_params = [{transform_indices = #map}, {transform_indices = #map}, {transform_indices = #map}, {transform_indices = #map1}, {transform_indices = #map}, {transform_indices = #map}]} {
    %mul3A = arith.constant 2 : i32
    %mul3A_0 = arith.muli %arg1, %mul3A : i32
    %add3A = arith.addi %mul3A_0, %arg0 : i32
    "tpu.region"() ({
      %run_scoped3A = tpu.sem_alloc : memref<!tpu.dma_semaphore, #tpu.memory_space<semaphore_mem>>
      %dma_start3A = arith.constant 0 : i32
      %dma_start3A_25 = tpu.memref_slice %arg2[%add3A, %dma_start3A] : memref<32x100000xf32, #tpu.memory_space<hbm>> -> memref<1x100000xf32, #tpu.memory_space<hbm>>
      %dma_start3A_26 = tpu.memref_squeeze %dma_start3A_25 : memref<1x100000xf32, #tpu.memory_space<hbm>> -> memref<100000xf32, #tpu.memory_space<hbm>>
      %dma_start3A_27 = arith.constant 0 : i32
      %dma_start3A_28 = tpu.memref_slice %arg2[%add3A, %dma_start3A_27] : memref<32x100000xf32, #tpu.memory_space<hbm>> -> memref<1x100000xf32, #tpu.memory_space<hbm>>
      %dma_start3A_29 = tpu.memref_squeeze %dma_start3A_28 : memref<1x100000xf32, #tpu.memory_space<hbm>> -> memref<100000xf32, #tpu.memory_space<hbm>>
      tpu.enqueue_dma source(%dma_start3A_29 : memref<100000xf32, #tpu.memory_space<hbm>>) target(%arg8 : memref<100000xf32, #tpu.memory_space<vmem>>) target_semaphore(%run_scoped3A : memref<!tpu.dma_semaphore, #tpu.memory_space<semaphore_mem>>)
      %dma_wait3A = arith.constant 0 : i32
      %dma_wait3A_30 = tpu.memref_slice %arg2[%add3A, %dma_wait3A] : memref<32x100000xf32, #tpu.memory_space<hbm>> -> memref<1x100000xf32, #tpu.memory_space<hbm>>
      %dma_wait3A_31 = tpu.memref_squeeze %dma_wait3A_30 : memref<1x100000xf32, #tpu.memory_space<hbm>> -> memref<100000xf32, #tpu.memory_space<hbm>>
      %dma_wait3A_32 = arith.constant 0 : i32
      %dma_wait3A_33 = tpu.memref_slice %arg2[%add3A, %dma_wait3A_32] : memref<32x100000xf32, #tpu.memory_space<hbm>> -> memref<1x100000xf32, #tpu.memory_space<hbm>>
      %dma_wait3A_34 = tpu.memref_squeeze %dma_wait3A_33 : memref<1x100000xf32, #tpu.memory_space<hbm>> -> memref<100000xf32, #tpu.memory_space<hbm>>
      tpu.wait_dma2 semaphore(%run_scoped3A : memref<!tpu.dma_semaphore, #tpu.memory_space<semaphore_mem>>) src(%dma_wait3A_34 : memref<100000xf32, #tpu.memory_space<hbm>>) dst(%arg8 : memref<100000xf32, #tpu.memory_space<vmem>>)
      tpu.yield
    }) : () -> ()
    "tpu.region"() ({
      %run_scoped3A = tpu.sem_alloc : memref<!tpu.dma_semaphore, #tpu.memory_space<semaphore_mem>>
      %dma_start3A = arith.constant 0 : i32
      %dma_start3A_25 = arith.constant 0 : i32
      %dma_start3A_26 = tpu.memref_slice %arg4[%dma_start3A, %dma_start3A_25] : memref<20x1024xi32, #tpu.memory_space<hbm>> -> memref<20x256xi32, #tpu.memory_space<hbm>>
      %dma_start3A_27 = arith.constant 0 : i32
      %dma_start3A_28 = arith.constant 0 : i32
      %dma_start3A_29 = tpu.memref_slice %arg4[%dma_start3A_27, %dma_start3A_28] : memref<20x1024xi32, #tpu.memory_space<hbm>> -> memref<20x256xi32, #tpu.memory_space<hbm>>
      tpu.enqueue_dma source(%dma_start3A_29 : memref<20x256xi32, #tpu.memory_space<hbm>>) target(%arg9 : memref<20x256xi32, #tpu.memory_space<vmem>>) target_semaphore(%run_scoped3A : memref<!tpu.dma_semaphore, #tpu.memory_space<semaphore_mem>>)
      %dma_wait3A = arith.constant 0 : i32
      %dma_wait3A_30 = arith.constant 0 : i32
      %dma_wait3A_31 = tpu.memref_slice %arg4[%dma_wait3A, %dma_wait3A_30] : memref<20x1024xi32, #tpu.memory_space<hbm>> -> memref<20x256xi32, #tpu.memory_space<hbm>>
      %dma_wait3A_32 = arith.constant 0 : i32
      %dma_wait3A_33 = arith.constant 0 : i32
      %dma_wait3A_34 = tpu.memref_slice %arg4[%dma_wait3A_32, %dma_wait3A_33] : memref<20x1024xi32, #tpu.memory_space<hbm>> -> memref<20x256xi32, #tpu.memory_space<hbm>>
      tpu.wait_dma2 semaphore(%run_scoped3A : memref<!tpu.dma_semaphore, #tpu.memory_space<semaphore_mem>>) src(%dma_wait3A_34 : memref<20x256xi32, #tpu.memory_space<hbm>>) dst(%arg9 : memref<20x256xi32, #tpu.memory_space<vmem>>)
      tpu.yield
    }) : () -> ()
    %scan3A = arith.constant 0 : i32
    %scan3A_1 = arith.constant 16 : i32
    %scan3A_2 = arith.addi %scan3A, %scan3A_1 : i32
    %scan3A_3 = arith.constant 1 : i32
    scf.for %scan3A_25 = %scan3A to %scan3A_2 step %scan3A_3  : i32 {
      %mul3A_26 = arith.constant 16 : i32
      %mul3A_27 = arith.muli %scan3A_25, %mul3A_26 : i32
      %add3A_28 = arith.constant 0 : i32
      %add3A_29 = arith.addi %add3A_28, %mul3A_27 : i32
      %broadcast_in_dim3A = arith.constant 0.000000e+00 : f32
      %broadcast_in_dim3A_30 = vector.broadcast %broadcast_in_dim3A : f32 to vector<16xf32>
      %get3A = arith.constant 0 : i32
      %get3A_31 = arith.index_cast %get3A : i32 to index
      %get3A_32 = arith.index_cast %add3A_29 : i32 to index
      %get3A_33 = tpu.vector_load %arg9[%get3A_31, %get3A_32] {strides = array<i32>} : memref<20x256xi32, #tpu.memory_space<vmem>>, vector<16xi32>,
      %gather3A = tpu.vector_load_idx %arg8[%get3A_33] : memref<100000xf32, #tpu.memory_space<vmem>>[vector<16xi32>], vector<16xf32>,
      %add3A_34 = arith.addf %broadcast_in_dim3A_30, %gather3A : vector<16xf32>
      %get3A_35 = arith.constant 1 : i32
      %get3A_36 = arith.index_cast %get3A_35 : i32 to index
      %get3A_37 = arith.index_cast %add3A_29 : i32 to index
      %get3A_38 = tpu.vector_load %arg9[%get3A_36, %get3A_37] {strides = array<i32>} : memref<20x256xi32, #tpu.memory_space<vmem>>, vector<16xi32>,
      %gather3A_39 = tpu.vector_load_idx %arg8[%get3A_38] : memref<100000xf32, #tpu.memory_space<vmem>>[vector<16xi32>], vector<16xf32>,
      %add3A_40 = arith.addf %add3A_34, %gather3A_39 : vector<16xf32>
      %get3A_41 = arith.constant 2 : i32
      %get3A_42 = arith.index_cast %get3A_41 : i32 to index
      %get3A_43 = arith.index_cast %add3A_29 : i32 to index
      %get3A_44 = tpu.vector_load %arg9[%get3A_42, %get3A_43] {strides = array<i32>} : memref<20x256xi32, #tpu.memory_space<vmem>>, vector<16xi32>,
      %gather3A_45 = tpu.vector_load_idx %arg8[%get3A_44] : memref<100000xf32, #tpu.memory_space<vmem>>[vector<16xi32>], vector<16xf32>,
      %add3A_46 = arith.addf %add3A_40, %gather3A_45 : vector<16xf32>
      %get3A_47 = arith.constant 3 : i32
      %get3A_48 = arith.index_cast %get3A_47 : i32 to index
      %get3A_49 = arith.index_cast %add3A_29 : i32 to index
      %get3A_50 = tpu.vector_load %arg9[%get3A_48, %get3A_49] {strides = array<i32>} : memref<20x256xi32, #tpu.memory_space<vmem>>, vector<16xi32>,
      %gather3A_51 = tpu.vector_load_idx %arg8[%get3A_50] : memref<100000xf32, #tpu.memory_space<vmem>>[vector<16xi32>], vector<16xf32>,
      %add3A_52 = arith.addf %add3A_46, %gather3A_51 : vector<16xf32>
      %get3A_53 = arith.constant 4 : i32
      %get3A_54 = arith.index_cast %get3A_53 : i32 to index
      %get3A_55 = arith.index_cast %add3A_29 : i32 to index
      %get3A_56 = tpu.vector_load %arg9[%get3A_54, %get3A_55] {strides = array<i32>} : memref<20x256xi32, #tpu.memory_space<vmem>>, vector<16xi32>,
      %gather3A_57 = tpu.vector_load_idx %arg8[%get3A_56] : memref<100000xf32, #tpu.memory_space<vmem>>[vector<16xi32>], vector<16xf32>,
      %add3A_58 = arith.addf %add3A_52, %gather3A_57 : vector<16xf32>
      %get3A_59 = arith.constant 5 : i32
      %get3A_60 = arith.index_cast %get3A_59 : i32 to index
      %get3A_61 = arith.index_cast %add3A_29 : i32 to index
      %get3A_62 = tpu.vector_load %arg9[%get3A_60, %get3A_61] {strides = array<i32>} : memref<20x256xi32, #tpu.memory_space<vmem>>, vector<16xi32>,
      %gather3A_63 = tpu.vector_load_idx %arg8[%get3A_62] : memref<100000xf32, #tpu.memory_space<vmem>>[vector<16xi32>], vector<16xf32>,
      %add3A_64 = arith.addf %add3A_58, %gather3A_63 : vector<16xf32>
      %get3A_65 = arith.constant 6 : i32
      %get3A_66 = arith.index_cast %get3A_65 : i32 to index
      %get3A_67 = arith.index_cast %add3A_29 : i32 to index
      %get3A_68 = tpu.vector_load %arg9[%get3A_66, %get3A_67] {strides = array<i32>} : memref<20x256xi32, #tpu.memory_space<vmem>>, vector<16xi32>,
      %gather3A_69 = tpu.vector_load_idx %arg8[%get3A_68] : memref<100000xf32, #tpu.memory_space<vmem>>[vector<16xi32>], vector<16xf32>,
      %add3A_70 = arith.addf %add3A_64, %gather3A_69 : vector<16xf32>
      %get3A_71 = arith.constant 7 : i32
      %get3A_72 = arith.index_cast %get3A_71 : i32 to index
      %get3A_73 = arith.index_cast %add3A_29 : i32 to index
      %get3A_74 = tpu.vector_load %arg9[%get3A_72, %get3A_73] {strides = array<i32>} : memref<20x256xi32, #tpu.memory_space<vmem>>, vector<16xi32>,
      %gather3A_75 = tpu.vector_load_idx %arg8[%get3A_74] : memref<100000xf32, #tpu.memory_space<vmem>>[vector<16xi32>], vector<16xf32>,
      %add3A_76 = arith.addf %add3A_70, %gather3A_75 : vector<16xf32>
      %get3A_77 = arith.constant 8 : i32
      %get3A_78 = arith.index_cast %get3A_77 : i32 to index
      %get3A_79 = arith.index_cast %add3A_29 : i32 to index
      %get3A_80 = tpu.vector_load %arg9[%get3A_78, %get3A_79] {strides = array<i32>} : memref<20x256xi32, #tpu.memory_space<vmem>>, vector<16xi32>,
      %gather3A_81 = tpu.vector_load_idx %arg8[%get3A_80] : memref<100000xf32, #tpu.memory_space<vmem>>[vector<16xi32>], vector<16xf32>,
      %add3A_82 = arith.addf %add3A_76, %gather3A_81 : vector<16xf32>
      %get3A_83 = arith.constant 9 : i32
      %get3A_84 = arith.index_cast %get3A_83 : i32 to index
      %get3A_85 = arith.index_cast %add3A_29 : i32 to index
      %get3A_86 = tpu.vector_load %arg9[%get3A_84, %get3A_85] {strides = array<i32>} : memref<20x256xi32, #tpu.memory_space<vmem>>, vector<16xi32>,
      %gather3A_87 = tpu.vector_load_idx %arg8[%get3A_86] : memref<100000xf32, #tpu.memory_space<vmem>>[vector<16xi32>], vector<16xf32>,
      %add3A_88 = arith.addf %add3A_82, %gather3A_87 : vector<16xf32>
      %get3A_89 = arith.constant 10 : i32
      %get3A_90 = arith.index_cast %get3A_89 : i32 to index
      %get3A_91 = arith.index_cast %add3A_29 : i32 to index
      %get3A_92 = tpu.vector_load %arg9[%get3A_90, %get3A_91] {strides = array<i32>} : memref<20x256xi32, #tpu.memory_space<vmem>>, vector<16xi32>,
      %gather3A_93 = tpu.vector_load_idx %arg8[%get3A_92] : memref<100000xf32, #tpu.memory_space<vmem>>[vector<16xi32>], vector<16xf32>,
      %add3A_94 = arith.addf %add3A_88, %gather3A_93 : vector<16xf32>
      %get3A_95 = arith.constant 11 : i32
      %get3A_96 = arith.index_cast %get3A_95 : i32 to index
      %get3A_97 = arith.index_cast %add3A_29 : i32 to index
      %get3A_98 = tpu.vector_load %arg9[%get3A_96, %get3A_97] {strides = array<i32>} : memref<20x256xi32, #tpu.memory_space<vmem>>, vector<16xi32>,
      %gather3A_99 = tpu.vector_load_idx %arg8[%get3A_98] : memref<100000xf32, #tpu.memory_space<vmem>>[vector<16xi32>], vector<16xf32>,
      %add3A_100 = arith.addf %add3A_94, %gather3A_99 : vector<16xf32>
      %get3A_101 = arith.constant 12 : i32
      %get3A_102 = arith.index_cast %get3A_101 : i32 to index
      %get3A_103 = arith.index_cast %add3A_29 : i32 to index
      %get3A_104 = tpu.vector_load %arg9[%get3A_102, %get3A_103] {strides = array<i32>} : memref<20x256xi32, #tpu.memory_space<vmem>>, vector<16xi32>,
      %gather3A_105 = tpu.vector_load_idx %arg8[%get3A_104] : memref<100000xf32, #tpu.memory_space<vmem>>[vector<16xi32>], vector<16xf32>,
      %add3A_106 = arith.addf %add3A_100, %gather3A_105 : vector<16xf32>
      %get3A_107 = arith.constant 13 : i32
      %get3A_108 = arith.index_cast %get3A_107 : i32 to index
      %get3A_109 = arith.index_cast %add3A_29 : i32 to index
      %get3A_110 = tpu.vector_load %arg9[%get3A_108, %get3A_109] {strides = array<i32>} : memref<20x256xi32, #tpu.memory_space<vmem>>, vector<16xi32>,
      %gather3A_111 = tpu.vector_load_idx %arg8[%get3A_110] : memref<100000xf32, #tpu.memory_space<vmem>>[vector<16xi32>], vector<16xf32>,
      %add3A_112 = arith.addf %add3A_106, %gather3A_111 : vector<16xf32>
      %get3A_113 = arith.constant 14 : i32
      %get3A_114 = arith.index_cast %get3A_113 : i32 to index
      %get3A_115 = arith.index_cast %add3A_29 : i32 to index
      %get3A_116 = tpu.vector_load %arg9[%get3A_114, %get3A_115] {strides = array<i32>} : memref<20x256xi32, #tpu.memory_space<vmem>>, vector<16xi32>,
      %gather3A_117 = tpu.vector_load_idx %arg8[%get3A_116] : memref<100000xf32, #tpu.memory_space<vmem>>[vector<16xi32>], vector<16xf32>,
      %add3A_118 = arith.addf %add3A_112, %gather3A_117 : vector<16xf32>
      %get3A_119 = arith.constant 15 : i32
      %get3A_120 = arith.index_cast %get3A_119 : i32 to index
      %get3A_121 = arith.index_cast %add3A_29 : i32 to index
      %get3A_122 = tpu.vector_load %arg9[%get3A_120, %get3A_121] {strides = array<i32>} : memref<20x256xi32, #tpu.memory_space<vmem>>, vector<16xi32>,
      %gather3A_123 = tpu.vector_load_idx %arg8[%get3A_122] : memref<100000xf32, #tpu.memory_space<vmem>>[vector<16xi32>], vector<16xf32>,
      %add3A_124 = arith.addf %add3A_118, %gather3A_123 : vector<16xf32>
      %get3A_125 = arith.constant 16 : i32
      %get3A_126 = arith.index_cast %get3A_125 : i32 to index
      %get3A_127 = arith.index_cast %add3A_29 : i32 to index
      %get3A_128 = tpu.vector_load %arg9[%get3A_126, %get3A_127] {strides = array<i32>} : memref<20x256xi32, #tpu.memory_space<vmem>>, vector<16xi32>,
      %gather3A_129 = tpu.vector_load_idx %arg8[%get3A_128] : memref<100000xf32, #tpu.memory_space<vmem>>[vector<16xi32>], vector<16xf32>,
      %add3A_130 = arith.addf %add3A_124, %gather3A_129 : vector<16xf32>
      %get3A_131 = arith.constant 17 : i32
      %get3A_132 = arith.index_cast %get3A_131 : i32 to index
      %get3A_133 = arith.index_cast %add3A_29 : i32 to index
      %get3A_134 = tpu.vector_load %arg9[%get3A_132, %get3A_133] {strides = array<i32>} : memref<20x256xi32, #tpu.memory_space<vmem>>, vector<16xi32>,
      %gather3A_135 = tpu.vector_load_idx %arg8[%get3A_134] : memref<100000xf32, #tpu.memory_space<vmem>>[vector<16xi32>], vector<16xf32>,
      %add3A_136 = arith.addf %add3A_130, %gather3A_135 : vector<16xf32>
      %get3A_137 = arith.constant 18 : i32
      %get3A_138 = arith.index_cast %get3A_137 : i32 to index
      %get3A_139 = arith.index_cast %add3A_29 : i32 to index
      %get3A_140 = tpu.vector_load %arg9[%get3A_138, %get3A_139] {strides = array<i32>} : memref<20x256xi32, #tpu.memory_space<vmem>>, vector<16xi32>,
      %gather3A_141 = tpu.vector_load_idx %arg8[%get3A_140] : memref<100000xf32, #tpu.memory_space<vmem>>[vector<16xi32>], vector<16xf32>,
      %add3A_142 = arith.addf %add3A_136, %gather3A_141 : vector<16xf32>
      %get3A_143 = arith.constant 19 : i32
      %get3A_144 = arith.index_cast %get3A_143 : i32 to index
      %get3A_145 = arith.index_cast %add3A_29 : i32 to index
      %get3A_146 = tpu.vector_load %arg9[%get3A_144, %get3A_145] {strides = array<i32>} : memref<20x256xi32, #tpu.memory_space<vmem>>, vector<16xi32>,
      %gather3A_147 = tpu.vector_load_idx %arg8[%get3A_146] : memref<100000xf32, #tpu.memory_space<vmem>>[vector<16xi32>], vector<16xf32>,
      %add3A_148 = arith.addf %add3A_142, %gather3A_147 : vector<16xf32>
      %add3A_149 = arith.constant 0 : i32
      %add3A_150 = arith.addi %add3A_149, %add3A_29 : i32
      %swap3A = arith.index_cast %add3A_150 : i32 to index
      %swap3A_151 = tpu.vector_load %arg11[%swap3A] {strides = array<i32>} : memref<1024xf32, #tpu.memory_space<vmem>>, vector<16xf32>,
      tpu.vector_store %arg11[%swap3A], %add3A_148 {strides = array<i32>} : memref<1024xf32, #tpu.memory_space<vmem>>, vector<16xf32>,
    }
    %scan3A_4 = arith.constant 16 : i32
    "tpu.region"() ({
      %run_scoped3A = tpu.sem_alloc : memref<!tpu.dma_semaphore, #tpu.memory_space<semaphore_mem>>
      %dma_start3A = arith.constant 0 : i32
      %dma_start3A_25 = arith.constant 256 : i32
      %dma_start3A_26 = tpu.memref_slice %arg4[%dma_start3A, %dma_start3A_25] : memref<20x1024xi32, #tpu.memory_space<hbm>> -> memref<20x256xi32, #tpu.memory_space<hbm>>
      %dma_start3A_27 = arith.constant 0 : i32
      %dma_start3A_28 = arith.constant 256 : i32
      %dma_start3A_29 = tpu.memref_slice %arg4[%dma_start3A_27, %dma_start3A_28] : memref<20x1024xi32, #tpu.memory_space<hbm>> -> memref<20x256xi32, #tpu.memory_space<hbm>>
      tpu.enqueue_dma source(%dma_start3A_29 : memref<20x256xi32, #tpu.memory_space<hbm>>) target(%arg9 : memref<20x256xi32, #tpu.memory_space<vmem>>) target_semaphore(%run_scoped3A : memref<!tpu.dma_semaphore, #tpu.memory_space<semaphore_mem>>)
      %dma_wait3A = arith.constant 0 : i32
      %dma_wait3A_30 = arith.constant 256 : i32
      %dma_wait3A_31 = tpu.memref_slice %arg4[%dma_wait3A, %dma_wait3A_30] : memref<20x1024xi32, #tpu.memory_space<hbm>> -> memref<20x256xi32, #tpu.memory_space<hbm>>
      %dma_wait3A_32 = arith.constant 0 : i32
      %dma_wait3A_33 = arith.constant 256 : i32
      %dma_wait3A_34 = tpu.memref_slice %arg4[%dma_wait3A_32, %dma_wait3A_33] : memref<20x1024xi32, #tpu.memory_space<hbm>> -> memref<20x256xi32, #tpu.memory_space<hbm>>
      tpu.wait_dma2 semaphore(%run_scoped3A : memref<!tpu.dma_semaphore, #tpu.memory_space<semaphore_mem>>) src(%dma_wait3A_34 : memref<20x256xi32, #tpu.memory_space<hbm>>) dst(%arg9 : memref<20x256xi32, #tpu.memory_space<vmem>>)
      tpu.yield
    }) : () -> ()
    %scan3A_5 = arith.constant 0 : i32
    %scan3A_6 = arith.constant 16 : i32
    %scan3A_7 = arith.addi %scan3A_5, %scan3A_6 : i32
    %scan3A_8 = arith.constant 1 : i32
    scf.for %scan3A_25 = %scan3A_5 to %scan3A_7 step %scan3A_8  : i32 {
      %mul3A_26 = arith.constant 16 : i32
      %mul3A_27 = arith.muli %scan3A_25, %mul3A_26 : i32
      %add3A_28 = arith.constant 0 : i32
      %add3A_29 = arith.addi %add3A_28, %mul3A_27 : i32
      %broadcast_in_dim3A = arith.constant 0.000000e+00 : f32
      %broadcast_in_dim3A_30 = vector.broadcast %broadcast_in_dim3A : f32 to vector<16xf32>
      %get3A = arith.constant 0 : i32
      %get3A_31 = arith.index_cast %get3A : i32 to index
      %get3A_32 = arith.index_cast %add3A_29 : i32 to index
      %get3A_33 = tpu.vector_load %arg9[%get3A_31, %get3A_32] {strides = array<i32>} : memref<20x256xi32, #tpu.memory_space<vmem>>, vector<16xi32>,
      %gather3A = tpu.vector_load_idx %arg8[%get3A_33] : memref<100000xf32, #tpu.memory_space<vmem>>[vector<16xi32>], vector<16xf32>,
      %add3A_34 = arith.addf %broadcast_in_dim3A_30, %gather3A : vector<16xf32>
      %get3A_35 = arith.constant 1 : i32
      %get3A_36 = arith.index_cast %get3A_35 : i32 to index
      %get3A_37 = arith.index_cast %add3A_29 : i32 to index
      %get3A_38 = tpu.vector_load %arg9[%get3A_36, %get3A_37] {strides = array<i32>} : memref<20x256xi32, #tpu.memory_space<vmem>>, vector<16xi32>,
      %gather3A_39 = tpu.vector_load_idx %arg8[%get3A_38] : memref<100000xf32, #tpu.memory_space<vmem>>[vector<16xi32>], vector<16xf32>,
      %add3A_40 = arith.addf %add3A_34, %gather3A_39 : vector<16xf32>
      %get3A_41 = arith.constant 2 : i32
      %get3A_42 = arith.index_cast %get3A_41 : i32 to index
      %get3A_43 = arith.index_cast %add3A_29 : i32 to index
      %get3A_44 = tpu.vector_load %arg9[%get3A_42, %get3A_43] {strides = array<i32>} : memref<20x256xi32, #tpu.memory_space<vmem>>, vector<16xi32>,
      %gather3A_45 = tpu.vector_load_idx %arg8[%get3A_44] : memref<100000xf32, #tpu.memory_space<vmem>>[vector<16xi32>], vector<16xf32>,
      %add3A_46 = arith.addf %add3A_40, %gather3A_45 : vector<16xf32>
      %get3A_47 = arith.constant 3 : i32
      %get3A_48 = arith.index_cast %get3A_47 : i32 to index
      %get3A_49 = arith.index_cast %add3A_29 : i32 to index
      %get3A_50 = tpu.vector_load %arg9[%get3A_48, %get3A_49] {strides = array<i32>} : memref<20x256xi32, #tpu.memory_space<vmem>>, vector<16xi32>,
      %gather3A_51 = tpu.vector_load_idx %arg8[%get3A_50] : memref<100000xf32, #tpu.memory_space<vmem>>[vector<16xi32>], vector<16xf32>,
      %add3A_52 = arith.addf %add3A_46, %gather3A_51 : vector<16xf32>
      %get3A_53 = arith.constant 4 : i32
      %get3A_54 = arith.index_cast %get3A_53 : i32 to index
      %get3A_55 = arith.index_cast %add3A_29 : i32 to index
      %get3A_56 = tpu.vector_load %arg9[%get3A_54, %get3A_55] {strides = array<i32>} : memref<20x256xi32, #tpu.memory_space<vmem>>, vector<16xi32>,
      %gather3A_57 = tpu.vector_load_idx %arg8[%get3A_56] : memref<100000xf32, #tpu.memory_space<vmem>>[vector<16xi32>], vector<16xf32>,
      %add3A_58 = arith.addf %add3A_52, %gather3A_57 : vector<16xf32>
      %get3A_59 = arith.constant 5 : i32
      %get3A_60 = arith.index_cast %get3A_59 : i32 to index
      %get3A_61 = arith.index_cast %add3A_29 : i32 to index
      %get3A_62 = tpu.vector_load %arg9[%get3A_60, %get3A_61] {strides = array<i32>} : memref<20x256xi32, #tpu.memory_space<vmem>>, vector<16xi32>,
      %gather3A_63 = tpu.vector_load_idx %arg8[%get3A_62] : memref<100000xf32, #tpu.memory_space<vmem>>[vector<16xi32>], vector<16xf32>,
      %add3A_64 = arith.addf %add3A_58, %gather3A_63 : vector<16xf32>
      %get3A_65 = arith.constant 6 : i32
      %get3A_66 = arith.index_cast %get3A_65 : i32 to index
      %get3A_67 = arith.index_cast %add3A_29 : i32 to index
      %get3A_68 = tpu.vector_load %arg9[%get3A_66, %get3A_67] {strides = array<i32>} : memref<20x256xi32, #tpu.memory_space<vmem>>, vector<16xi32>,
      %gather3A_69 = tpu.vector_load_idx %arg8[%get3A_68] : memref<100000xf32, #tpu.memory_space<vmem>>[vector<16xi32>], vector<16xf32>,
      %add3A_70 = arith.addf %add3A_64, %gather3A_69 : vector<16xf32>
      %get3A_71 = arith.constant 7 : i32
      %get3A_72 = arith.index_cast %get3A_71 : i32 to index
      %get3A_73 = arith.index_cast %add3A_29 : i32 to index
      %get3A_74 = tpu.vector_load %arg9[%get3A_72, %get3A_73] {strides = array<i32>} : memref<20x256xi32, #tpu.memory_space<vmem>>, vector<16xi32>,
      %gather3A_75 = tpu.vector_load_idx %arg8[%get3A_74] : memref<100000xf32, #tpu.memory_space<vmem>>[vector<16xi32>], vector<16xf32>,
      %add3A_76 = arith.addf %add3A_70, %gather3A_75 : vector<16xf32>
      %get3A_77 = arith.constant 8 : i32
      %get3A_78 = arith.index_cast %get3A_77 : i32 to index
      %get3A_79 = arith.index_cast %add3A_29 : i32 to index
      %get3A_80 = tpu.vector_load %arg9[%get3A_78, %get3A_79] {strides = array<i32>} : memref<20x256xi32, #tpu.memory_space<vmem>>, vector<16xi32>,
      %gather3A_81 = tpu.vector_load_idx %arg8[%get3A_80] : memref<100000xf32, #tpu.memory_space<vmem>>[vector<16xi32>], vector<16xf32>,
      %add3A_82 = arith.addf %add3A_76, %gather3A_81 : vector<16xf32>
      %get3A_83 = arith.constant 9 : i32
      %get3A_84 = arith.index_cast %get3A_83 : i32 to index
      %get3A_85 = arith.index_cast %add3A_29 : i32 to index
      %get3A_86 = tpu.vector_load %arg9[%get3A_84, %get3A_85] {strides = array<i32>} : memref<20x256xi32, #tpu.memory_space<vmem>>, vector<16xi32>,
      %gather3A_87 = tpu.vector_load_idx %arg8[%get3A_86] : memref<100000xf32, #tpu.memory_space<vmem>>[vector<16xi32>], vector<16xf32>,
      %add3A_88 = arith.addf %add3A_82, %gather3A_87 : vector<16xf32>
      %get3A_89 = arith.constant 10 : i32
      %get3A_90 = arith.index_cast %get3A_89 : i32 to index
      %get3A_91 = arith.index_cast %add3A_29 : i32 to index
      %get3A_92 = tpu.vector_load %arg9[%get3A_90, %get3A_91] {strides = array<i32>} : memref<20x256xi32, #tpu.memory_space<vmem>>, vector<16xi32>,
      %gather3A_93 = tpu.vector_load_idx %arg8[%get3A_92] : memref<100000xf32, #tpu.memory_space<vmem>>[vector<16xi32>], vector<16xf32>,
      %add3A_94 = arith.addf %add3A_88, %gather3A_93 : vector<16xf32>
      %get3A_95 = arith.constant 11 : i32
      %get3A_96 = arith.index_cast %get3A_95 : i32 to index
      %get3A_97 = arith.index_cast %add3A_29 : i32 to index
      %get3A_98 = tpu.vector_load %arg9[%get3A_96, %get3A_97] {strides = array<i32>} : memref<20x256xi32, #tpu.memory_space<vmem>>, vector<16xi32>,
      %gather3A_99 = tpu.vector_load_idx %arg8[%get3A_98] : memref<100000xf32, #tpu.memory_space<vmem>>[vector<16xi32>], vector<16xf32>,
      %add3A_100 = arith.addf %add3A_94, %gather3A_99 : vector<16xf32>
      %get3A_101 = arith.constant 12 : i32
      %get3A_102 = arith.index_cast %get3A_101 : i32 to index
      %get3A_103 = arith.index_cast %add3A_29 : i32 to index
      %get3A_104 = tpu.vector_load %arg9[%get3A_102, %get3A_103] {strides = array<i32>} : memref<20x256xi32, #tpu.memory_space<vmem>>, vector<16xi32>,
      %gather3A_105 = tpu.vector_load_idx %arg8[%get3A_104] : memref<100000xf32, #tpu.memory_space<vmem>>[vector<16xi32>], vector<16xf32>,
      %add3A_106 = arith.addf %add3A_100, %gather3A_105 : vector<16xf32>
      %get3A_107 = arith.constant 13 : i32
      %get3A_108 = arith.index_cast %get3A_107 : i32 to index
      %get3A_109 = arith.index_cast %add3A_29 : i32 to index
      %get3A_110 = tpu.vector_load %arg9[%get3A_108, %get3A_109] {strides = array<i32>} : memref<20x256xi32, #tpu.memory_space<vmem>>, vector<16xi32>,
      %gather3A_111 = tpu.vector_load_idx %arg8[%get3A_110] : memref<100000xf32, #tpu.memory_space<vmem>>[vector<16xi32>], vector<16xf32>,
      %add3A_112 = arith.addf %add3A_106, %gather3A_111 : vector<16xf32>
      %get3A_113 = arith.constant 14 : i32
      %get3A_114 = arith.index_cast %get3A_113 : i32 to index
      %get3A_115 = arith.index_cast %add3A_29 : i32 to index
      %get3A_116 = tpu.vector_load %arg9[%get3A_114, %get3A_115] {strides = array<i32>} : memref<20x256xi32, #tpu.memory_space<vmem>>, vector<16xi32>,
      %gather3A_117 = tpu.vector_load_idx %arg8[%get3A_116] : memref<100000xf32, #tpu.memory_space<vmem>>[vector<16xi32>], vector<16xf32>,
      %add3A_118 = arith.addf %add3A_112, %gather3A_117 : vector<16xf32>
      %get3A_119 = arith.constant 15 : i32
      %get3A_120 = arith.index_cast %get3A_119 : i32 to index
      %get3A_121 = arith.index_cast %add3A_29 : i32 to index
      %get3A_122 = tpu.vector_load %arg9[%get3A_120, %get3A_121] {strides = array<i32>} : memref<20x256xi32, #tpu.memory_space<vmem>>, vector<16xi32>,
      %gather3A_123 = tpu.vector_load_idx %arg8[%get3A_122] : memref<100000xf32, #tpu.memory_space<vmem>>[vector<16xi32>], vector<16xf32>,
      %add3A_124 = arith.addf %add3A_118, %gather3A_123 : vector<16xf32>
      %get3A_125 = arith.constant 16 : i32
      %get3A_126 = arith.index_cast %get3A_125 : i32 to index
      %get3A_127 = arith.index_cast %add3A_29 : i32 to index
      %get3A_128 = tpu.vector_load %arg9[%get3A_126, %get3A_127] {strides = array<i32>} : memref<20x256xi32, #tpu.memory_space<vmem>>, vector<16xi32>,
      %gather3A_129 = tpu.vector_load_idx %arg8[%get3A_128] : memref<100000xf32, #tpu.memory_space<vmem>>[vector<16xi32>], vector<16xf32>,
      %add3A_130 = arith.addf %add3A_124, %gather3A_129 : vector<16xf32>
      %get3A_131 = arith.constant 17 : i32
      %get3A_132 = arith.index_cast %get3A_131 : i32 to index
      %get3A_133 = arith.index_cast %add3A_29 : i32 to index
      %get3A_134 = tpu.vector_load %arg9[%get3A_132, %get3A_133] {strides = array<i32>} : memref<20x256xi32, #tpu.memory_space<vmem>>, vector<16xi32>,
      %gather3A_135 = tpu.vector_load_idx %arg8[%get3A_134] : memref<100000xf32, #tpu.memory_space<vmem>>[vector<16xi32>], vector<16xf32>,
      %add3A_136 = arith.addf %add3A_130, %gather3A_135 : vector<16xf32>
      %get3A_137 = arith.constant 18 : i32
      %get3A_138 = arith.index_cast %get3A_137 : i32 to index
      %get3A_139 = arith.index_cast %add3A_29 : i32 to index
      %get3A_140 = tpu.vector_load %arg9[%get3A_138, %get3A_139] {strides = array<i32>} : memref<20x256xi32, #tpu.memory_space<vmem>>, vector<16xi32>,
      %gather3A_141 = tpu.vector_load_idx %arg8[%get3A_140] : memref<100000xf32, #tpu.memory_space<vmem>>[vector<16xi32>], vector<16xf32>,
      %add3A_142 = arith.addf %add3A_136, %gather3A_141 : vector<16xf32>
      %get3A_143 = arith.constant 19 : i32
      %get3A_144 = arith.index_cast %get3A_143 : i32 to index
      %get3A_145 = arith.index_cast %add3A_29 : i32 to index
      %get3A_146 = tpu.vector_load %arg9[%get3A_144, %get3A_145] {strides = array<i32>} : memref<20x256xi32, #tpu.memory_space<vmem>>, vector<16xi32>,
      %gather3A_147 = tpu.vector_load_idx %arg8[%get3A_146] : memref<100000xf32, #tpu.memory_space<vmem>>[vector<16xi32>], vector<16xf32>,
      %add3A_148 = arith.addf %add3A_142, %gather3A_147 : vector<16xf32>
      %add3A_149 = arith.constant 256 : i32
      %add3A_150 = arith.addi %add3A_149, %add3A_29 : i32
      %swap3A = arith.index_cast %add3A_150 : i32 to index
      %swap3A_151 = tpu.vector_load %arg11[%swap3A] {strides = array<i32>} : memref<1024xf32, #tpu.memory_space<vmem>>, vector<16xf32>,
      tpu.vector_store %arg11[%swap3A], %add3A_148 {strides = array<i32>} : memref<1024xf32, #tpu.memory_space<vmem>>, vector<16xf32>,
    }
    %scan3A_9 = arith.constant 16 : i32
    "tpu.region"() ({
      %run_scoped3A = tpu.sem_alloc : memref<!tpu.dma_semaphore, #tpu.memory_space<semaphore_mem>>
      %dma_start3A = arith.constant 0 : i32
      %dma_start3A_25 = arith.constant 512 : i32
      %dma_start3A_26 = tpu.memref_slice %arg4[%dma_start3A, %dma_start3A_25] : memref<20x1024xi32, #tpu.memory_space<hbm>> -> memref<20x256xi32, #tpu.memory_space<hbm>>
      %dma_start3A_27 = arith.constant 0 : i32
      %dma_start3A_28 = arith.constant 512 : i32
      %dma_start3A_29 = tpu.memref_slice %arg4[%dma_start3A_27, %dma_start3A_28] : memref<20x1024xi32, #tpu.memory_space<hbm>> -> memref<20x256xi32, #tpu.memory_space<hbm>>
      tpu.enqueue_dma source(%dma_start3A_29 : memref<20x256xi32, #tpu.memory_space<hbm>>) target(%arg9 : memref<20x256xi32, #tpu.memory_space<vmem>>) target_semaphore(%run_scoped3A : memref<!tpu.dma_semaphore, #tpu.memory_space<semaphore_mem>>)
      %dma_wait3A = arith.constant 0 : i32
      %dma_wait3A_30 = arith.constant 512 : i32
      %dma_wait3A_31 = tpu.memref_slice %arg4[%dma_wait3A, %dma_wait3A_30] : memref<20x1024xi32, #tpu.memory_space<hbm>> -> memref<20x256xi32, #tpu.memory_space<hbm>>
      %dma_wait3A_32 = arith.constant 0 : i32
      %dma_wait3A_33 = arith.constant 512 : i32
      %dma_wait3A_34 = tpu.memref_slice %arg4[%dma_wait3A_32, %dma_wait3A_33] : memref<20x1024xi32, #tpu.memory_space<hbm>> -> memref<20x256xi32, #tpu.memory_space<hbm>>
      tpu.wait_dma2 semaphore(%run_scoped3A : memref<!tpu.dma_semaphore, #tpu.memory_space<semaphore_mem>>) src(%dma_wait3A_34 : memref<20x256xi32, #tpu.memory_space<hbm>>) dst(%arg9 : memref<20x256xi32, #tpu.memory_space<vmem>>)
      tpu.yield
    }) : () -> ()
    %scan3A_10 = arith.constant 0 : i32
    %scan3A_11 = arith.constant 16 : i32
    %scan3A_12 = arith.addi %scan3A_10, %scan3A_11 : i32
    %scan3A_13 = arith.constant 1 : i32
    scf.for %scan3A_25 = %scan3A_10 to %scan3A_12 step %scan3A_13  : i32 {
      %mul3A_26 = arith.constant 16 : i32
      %mul3A_27 = arith.muli %scan3A_25, %mul3A_26 : i32
      %add3A_28 = arith.constant 0 : i32
      %add3A_29 = arith.addi %add3A_28, %mul3A_27 : i32
      %broadcast_in_dim3A = arith.constant 0.000000e+00 : f32
      %broadcast_in_dim3A_30 = vector.broadcast %broadcast_in_dim3A : f32 to vector<16xf32>
      %get3A = arith.constant 0 : i32
      %get3A_31 = arith.index_cast %get3A : i32 to index
      %get3A_32 = arith.index_cast %add3A_29 : i32 to index
      %get3A_33 = tpu.vector_load %arg9[%get3A_31, %get3A_32] {strides = array<i32>} : memref<20x256xi32, #tpu.memory_space<vmem>>, vector<16xi32>,
      %gather3A = tpu.vector_load_idx %arg8[%get3A_33] : memref<100000xf32, #tpu.memory_space<vmem>>[vector<16xi32>], vector<16xf32>,
      %add3A_34 = arith.addf %broadcast_in_dim3A_30, %gather3A : vector<16xf32>
      %get3A_35 = arith.constant 1 : i32
      %get3A_36 = arith.index_cast %get3A_35 : i32 to index
      %get3A_37 = arith.index_cast %add3A_29 : i32 to index
      %get3A_38 = tpu.vector_load %arg9[%get3A_36, %get3A_37] {strides = array<i32>} : memref<20x256xi32, #tpu.memory_space<vmem>>, vector<16xi32>,
      %gather3A_39 = tpu.vector_load_idx %arg8[%get3A_38] : memref<100000xf32, #tpu.memory_space<vmem>>[vector<16xi32>], vector<16xf32>,
      %add3A_40 = arith.addf %add3A_34, %gather3A_39 : vector<16xf32>
      %get3A_41 = arith.constant 2 : i32
      %get3A_42 = arith.index_cast %get3A_41 : i32 to index
      %get3A_43 = arith.index_cast %add3A_29 : i32 to index
      %get3A_44 = tpu.vector_load %arg9[%get3A_42, %get3A_43] {strides = array<i32>} : memref<20x256xi32, #tpu.memory_space<vmem>>, vector<16xi32>,
      %gather3A_45 = tpu.vector_load_idx %arg8[%get3A_44] : memref<100000xf32, #tpu.memory_space<vmem>>[vector<16xi32>], vector<16xf32>,
      %add3A_46 = arith.addf %add3A_40, %gather3A_45 : vector<16xf32>
      %get3A_47 = arith.constant 3 : i32
      %get3A_48 = arith.index_cast %get3A_47 : i32 to index
      %get3A_49 = arith.index_cast %add3A_29 : i32 to index
      %get3A_50 = tpu.vector_load %arg9[%get3A_48, %get3A_49] {strides = array<i32>} : memref<20x256xi32, #tpu.memory_space<vmem>>, vector<16xi32>,
      %gather3A_51 = tpu.vector_load_idx %arg8[%get3A_50] : memref<100000xf32, #tpu.memory_space<vmem>>[vector<16xi32>], vector<16xf32>,
      %add3A_52 = arith.addf %add3A_46, %gather3A_51 : vector<16xf32>
      %get3A_53 = arith.constant 4 : i32
      %get3A_54 = arith.index_cast %get3A_53 : i32 to index
      %get3A_55 = arith.index_cast %add3A_29 : i32 to index
      %get3A_56 = tpu.vector_load %arg9[%get3A_54, %get3A_55] {strides = array<i32>} : memref<20x256xi32, #tpu.memory_space<vmem>>, vector<16xi32>,
      %gather3A_57 = tpu.vector_load_idx %arg8[%get3A_56] : memref<100000xf32, #tpu.memory_space<vmem>>[vector<16xi32>], vector<16xf32>,
      %add3A_58 = arith.addf %add3A_52, %gather3A_57 : vector<16xf32>
      %get3A_59 = arith.constant 5 : i32
      %get3A_60 = arith.index_cast %get3A_59 : i32 to index
      %get3A_61 = arith.index_cast %add3A_29 : i32 to index
      %get3A_62 = tpu.vector_load %arg9[%get3A_60, %get3A_61] {strides = array<i32>} : memref<20x256xi32, #tpu.memory_space<vmem>>, vector<16xi32>,
      %gather3A_63 = tpu.vector_load_idx %arg8[%get3A_62] : memref<100000xf32, #tpu.memory_space<vmem>>[vector<16xi32>], vector<16xf32>,
      %add3A_64 = arith.addf %add3A_58, %gather3A_63 : vector<16xf32>
      %get3A_65 = arith.constant 6 : i32
      %get3A_66 = arith.index_cast %get3A_65 : i32 to index
      %get3A_67 = arith.index_cast %add3A_29 : i32 to index
      %get3A_68 = tpu.vector_load %arg9[%get3A_66, %get3A_67] {strides = array<i32>} : memref<20x256xi32, #tpu.memory_space<vmem>>, vector<16xi32>,
      %gather3A_69 = tpu.vector_load_idx %arg8[%get3A_68] : memref<100000xf32, #tpu.memory_space<vmem>>[vector<16xi32>], vector<16xf32>,
      %add3A_70 = arith.addf %add3A_64, %gather3A_69 : vector<16xf32>
      %get3A_71 = arith.constant 7 : i32
      %get3A_72 = arith.index_cast %get3A_71 : i32 to index
      %get3A_73 = arith.index_cast %add3A_29 : i32 to index
      %get3A_74 = tpu.vector_load %arg9[%get3A_72, %get3A_73] {strides = array<i32>} : memref<20x256xi32, #tpu.memory_space<vmem>>, vector<16xi32>,
      %gather3A_75 = tpu.vector_load_idx %arg8[%get3A_74] : memref<100000xf32, #tpu.memory_space<vmem>>[vector<16xi32>], vector<16xf32>,
      %add3A_76 = arith.addf %add3A_70, %gather3A_75 : vector<16xf32>
      %get3A_77 = arith.constant 8 : i32
      %get3A_78 = arith.index_cast %get3A_77 : i32 to index
      %get3A_79 = arith.index_cast %add3A_29 : i32 to index
      %get3A_80 = tpu.vector_load %arg9[%get3A_78, %get3A_79] {strides = array<i32>} : memref<20x256xi32, #tpu.memory_space<vmem>>, vector<16xi32>,
      %gather3A_81 = tpu.vector_load_idx %arg8[%get3A_80] : memref<100000xf32, #tpu.memory_space<vmem>>[vector<16xi32>], vector<16xf32>,
      %add3A_82 = arith.addf %add3A_76, %gather3A_81 : vector<16xf32>
      %get3A_83 = arith.constant 9 : i32
      %get3A_84 = arith.index_cast %get3A_83 : i32 to index
      %get3A_85 = arith.index_cast %add3A_29 : i32 to index
      %get3A_86 = tpu.vector_load %arg9[%get3A_84, %get3A_85] {strides = array<i32>} : memref<20x256xi32, #tpu.memory_space<vmem>>, vector<16xi32>,
      %gather3A_87 = tpu.vector_load_idx %arg8[%get3A_86] : memref<100000xf32, #tpu.memory_space<vmem>>[vector<16xi32>], vector<16xf32>,
      %add3A_88 = arith.addf %add3A_82, %gather3A_87 : vector<16xf32>
      %get3A_89 = arith.constant 10 : i32
      %get3A_90 = arith.index_cast %get3A_89 : i32 to index
      %get3A_91 = arith.index_cast %add3A_29 : i32 to index
      %get3A_92 = tpu.vector_load %arg9[%get3A_90, %get3A_91] {strides = array<i32>} : memref<20x256xi32, #tpu.memory_space<vmem>>, vector<16xi32>,
      %gather3A_93 = tpu.vector_load_idx %arg8[%get3A_92] : memref<100000xf32, #tpu.memory_space<vmem>>[vector<16xi32>], vector<16xf32>,
      %add3A_94 = arith.addf %add3A_88, %gather3A_93 : vector<16xf32>
      %get3A_95 = arith.constant 11 : i32
      %get3A_96 = arith.index_cast %get3A_95 : i32 to index
      %get3A_97 = arith.index_cast %add3A_29 : i32 to index
      %get3A_98 = tpu.vector_load %arg9[%get3A_96, %get3A_97] {strides = array<i32>} : memref<20x256xi32, #tpu.memory_space<vmem>>, vector<16xi32>,
      %gather3A_99 = tpu.vector_load_idx %arg8[%get3A_98] : memref<100000xf32, #tpu.memory_space<vmem>>[vector<16xi32>], vector<16xf32>,
      %add3A_100 = arith.addf %add3A_94, %gather3A_99 : vector<16xf32>
      %get3A_101 = arith.constant 12 : i32
      %get3A_102 = arith.index_cast %get3A_101 : i32 to index
      %get3A_103 = arith.index_cast %add3A_29 : i32 to index
      %get3A_104 = tpu.vector_load %arg9[%get3A_102, %get3A_103] {strides = array<i32>} : memref<20x256xi32, #tpu.memory_space<vmem>>, vector<16xi32>,
      %gather3A_105 = tpu.vector_load_idx %arg8[%get3A_104] : memref<100000xf32, #tpu.memory_space<vmem>>[vector<16xi32>], vector<16xf32>,
      %add3A_106 = arith.addf %add3A_100, %gather3A_105 : vector<16xf32>
      %get3A_107 = arith.constant 13 : i32
      %get3A_108 = arith.index_cast %get3A_107 : i32 to index
      %get3A_109 = arith.index_cast %add3A_29 : i32 to index
      %get3A_110 = tpu.vector_load %arg9[%get3A_108, %get3A_109] {strides = array<i32>} : memref<20x256xi32, #tpu.memory_space<vmem>>, vector<16xi32>,
      %gather3A_111 = tpu.vector_load_idx %arg8[%get3A_110] : memref<100000xf32, #tpu.memory_space<vmem>>[vector<16xi32>], vector<16xf32>,
      %add3A_112 = arith.addf %add3A_106, %gather3A_111 : vector<16xf32>
      %get3A_113 = arith.constant 14 : i32
      %get3A_114 = arith.index_cast %get3A_113 : i32 to index
      %get3A_115 = arith.index_cast %add3A_29 : i32 to index
      %get3A_116 = tpu.vector_load %arg9[%get3A_114, %get3A_115] {strides = array<i32>} : memref<20x256xi32, #tpu.memory_space<vmem>>, vector<16xi32>,
      %gather3A_117 = tpu.vector_load_idx %arg8[%get3A_116] : memref<100000xf32, #tpu.memory_space<vmem>>[vector<16xi32>], vector<16xf32>,
      %add3A_118 = arith.addf %add3A_112, %gather3A_117 : vector<16xf32>
      %get3A_119 = arith.constant 15 : i32
      %get3A_120 = arith.index_cast %get3A_119 : i32 to index
      %get3A_121 = arith.index_cast %add3A_29 : i32 to index
      %get3A_122 = tpu.vector_load %arg9[%get3A_120, %get3A_121] {strides = array<i32>} : memref<20x256xi32, #tpu.memory_space<vmem>>, vector<16xi32>,
      %gather3A_123 = tpu.vector_load_idx %arg8[%get3A_122] : memref<100000xf32, #tpu.memory_space<vmem>>[vector<16xi32>], vector<16xf32>,
      %add3A_124 = arith.addf %add3A_118, %gather3A_123 : vector<16xf32>
      %get3A_125 = arith.constant 16 : i32
      %get3A_126 = arith.index_cast %get3A_125 : i32 to index
      %get3A_127 = arith.index_cast %add3A_29 : i32 to index
      %get3A_128 = tpu.vector_load %arg9[%get3A_126, %get3A_127] {strides = array<i32>} : memref<20x256xi32, #tpu.memory_space<vmem>>, vector<16xi32>,
      %gather3A_129 = tpu.vector_load_idx %arg8[%get3A_128] : memref<100000xf32, #tpu.memory_space<vmem>>[vector<16xi32>], vector<16xf32>,
      %add3A_130 = arith.addf %add3A_124, %gather3A_129 : vector<16xf32>
      %get3A_131 = arith.constant 17 : i32
      %get3A_132 = arith.index_cast %get3A_131 : i32 to index
      %get3A_133 = arith.index_cast %add3A_29 : i32 to index
      %get3A_134 = tpu.vector_load %arg9[%get3A_132, %get3A_133] {strides = array<i32>} : memref<20x256xi32, #tpu.memory_space<vmem>>, vector<16xi32>,
      %gather3A_135 = tpu.vector_load_idx %arg8[%get3A_134] : memref<100000xf32, #tpu.memory_space<vmem>>[vector<16xi32>], vector<16xf32>,
      %add3A_136 = arith.addf %add3A_130, %gather3A_135 : vector<16xf32>
      %get3A_137 = arith.constant 18 : i32
      %get3A_138 = arith.index_cast %get3A_137 : i32 to index
      %get3A_139 = arith.index_cast %add3A_29 : i32 to index
      %get3A_140 = tpu.vector_load %arg9[%get3A_138, %get3A_139] {strides = array<i32>} : memref<20x256xi32, #tpu.memory_space<vmem>>, vector<16xi32>,
      %gather3A_141 = tpu.vector_load_idx %arg8[%get3A_140] : memref<100000xf32, #tpu.memory_space<vmem>>[vector<16xi32>], vector<16xf32>,
      %add3A_142 = arith.addf %add3A_136, %gather3A_141 : vector<16xf32>
      %get3A_143 = arith.constant 19 : i32
      %get3A_144 = arith.index_cast %get3A_143 : i32 to index
      %get3A_145 = arith.index_cast %add3A_29 : i32 to index
      %get3A_146 = tpu.vector_load %arg9[%get3A_144, %get3A_145] {strides = array<i32>} : memref<20x256xi32, #tpu.memory_space<vmem>>, vector<16xi32>,
      %gather3A_147 = tpu.vector_load_idx %arg8[%get3A_146] : memref<100000xf32, #tpu.memory_space<vmem>>[vector<16xi32>], vector<16xf32>,
      %add3A_148 = arith.addf %add3A_142, %gather3A_147 : vector<16xf32>
      %add3A_149 = arith.constant 512 : i32
      %add3A_150 = arith.addi %add3A_149, %add3A_29 : i32
      %swap3A = arith.index_cast %add3A_150 : i32 to index
      %swap3A_151 = tpu.vector_load %arg11[%swap3A] {strides = array<i32>} : memref<1024xf32, #tpu.memory_space<vmem>>, vector<16xf32>,
      tpu.vector_store %arg11[%swap3A], %add3A_148 {strides = array<i32>} : memref<1024xf32, #tpu.memory_space<vmem>>, vector<16xf32>,
    }
    %scan3A_14 = arith.constant 16 : i32
    "tpu.region"() ({
      %run_scoped3A = tpu.sem_alloc : memref<!tpu.dma_semaphore, #tpu.memory_space<semaphore_mem>>
      %dma_start3A = arith.constant 0 : i32
      %dma_start3A_25 = arith.constant 768 : i32
      %dma_start3A_26 = tpu.memref_slice %arg4[%dma_start3A, %dma_start3A_25] : memref<20x1024xi32, #tpu.memory_space<hbm>> -> memref<20x256xi32, #tpu.memory_space<hbm>>
      %dma_start3A_27 = arith.constant 0 : i32
      %dma_start3A_28 = arith.constant 768 : i32
      %dma_start3A_29 = tpu.memref_slice %arg4[%dma_start3A_27, %dma_start3A_28] : memref<20x1024xi32, #tpu.memory_space<hbm>> -> memref<20x256xi32, #tpu.memory_space<hbm>>
      tpu.enqueue_dma source(%dma_start3A_29 : memref<20x256xi32, #tpu.memory_space<hbm>>) target(%arg9 : memref<20x256xi32, #tpu.memory_space<vmem>>) target_semaphore(%run_scoped3A : memref<!tpu.dma_semaphore, #tpu.memory_space<semaphore_mem>>)
      %dma_wait3A = arith.constant 0 : i32
      %dma_wait3A_30 = arith.constant 768 : i32
      %dma_wait3A_31 = tpu.memref_slice %arg4[%dma_wait3A, %dma_wait3A_30] : memref<20x1024xi32, #tpu.memory_space<hbm>> -> memref<20x256xi32, #tpu.memory_space<hbm>>
      %dma_wait3A_32 = arith.constant 0 : i32
      %dma_wait3A_33 = arith.constant 768 : i32
      %dma_wait3A_34 = tpu.memref_slice %arg4[%dma_wait3A_32, %dma_wait3A_33] : memref<20x1024xi32, #tpu.memory_space<hbm>> -> memref<20x256xi32, #tpu.memory_space<hbm>>
      tpu.wait_dma2 semaphore(%run_scoped3A : memref<!tpu.dma_semaphore, #tpu.memory_space<semaphore_mem>>) src(%dma_wait3A_34 : memref<20x256xi32, #tpu.memory_space<hbm>>) dst(%arg9 : memref<20x256xi32, #tpu.memory_space<vmem>>)
      tpu.yield
    }) : () -> ()
    %scan3A_15 = arith.constant 0 : i32
    %scan3A_16 = arith.constant 16 : i32
    %scan3A_17 = arith.addi %scan3A_15, %scan3A_16 : i32
    %scan3A_18 = arith.constant 1 : i32
    scf.for %scan3A_25 = %scan3A_15 to %scan3A_17 step %scan3A_18  : i32 {
      %mul3A_26 = arith.constant 16 : i32
      %mul3A_27 = arith.muli %scan3A_25, %mul3A_26 : i32
      %add3A_28 = arith.constant 0 : i32
      %add3A_29 = arith.addi %add3A_28, %mul3A_27 : i32
      %broadcast_in_dim3A = arith.constant 0.000000e+00 : f32
      %broadcast_in_dim3A_30 = vector.broadcast %broadcast_in_dim3A : f32 to vector<16xf32>
      %get3A = arith.constant 0 : i32
      %get3A_31 = arith.index_cast %get3A : i32 to index
      %get3A_32 = arith.index_cast %add3A_29 : i32 to index
      %get3A_33 = tpu.vector_load %arg9[%get3A_31, %get3A_32] {strides = array<i32>} : memref<20x256xi32, #tpu.memory_space<vmem>>, vector<16xi32>,
      %gather3A = tpu.vector_load_idx %arg8[%get3A_33] : memref<100000xf32, #tpu.memory_space<vmem>>[vector<16xi32>], vector<16xf32>,
      %add3A_34 = arith.addf %broadcast_in_dim3A_30, %gather3A : vector<16xf32>
      %get3A_35 = arith.constant 1 : i32
      %get3A_36 = arith.index_cast %get3A_35 : i32 to index
      %get3A_37 = arith.index_cast %add3A_29 : i32 to index
      %get3A_38 = tpu.vector_load %arg9[%get3A_36, %get3A_37] {strides = array<i32>} : memref<20x256xi32, #tpu.memory_space<vmem>>, vector<16xi32>,
      %gather3A_39 = tpu.vector_load_idx %arg8[%get3A_38] : memref<100000xf32, #tpu.memory_space<vmem>>[vector<16xi32>], vector<16xf32>,
      %add3A_40 = arith.addf %add3A_34, %gather3A_39 : vector<16xf32>
      %get3A_41 = arith.constant 2 : i32
      %get3A_42 = arith.index_cast %get3A_41 : i32 to index
      %get3A_43 = arith.index_cast %add3A_29 : i32 to index
      %get3A_44 = tpu.vector_load %arg9[%get3A_42, %get3A_43] {strides = array<i32>} : memref<20x256xi32, #tpu.memory_space<vmem>>, vector<16xi32>,
      %gather3A_45 = tpu.vector_load_idx %arg8[%get3A_44] : memref<100000xf32, #tpu.memory_space<vmem>>[vector<16xi32>], vector<16xf32>,
      %add3A_46 = arith.addf %add3A_40, %gather3A_45 : vector<16xf32>
      %get3A_47 = arith.constant 3 : i32
      %get3A_48 = arith.index_cast %get3A_47 : i32 to index
      %get3A_49 = arith.index_cast %add3A_29 : i32 to index
      %get3A_50 = tpu.vector_load %arg9[%get3A_48, %get3A_49] {strides = array<i32>} : memref<20x256xi32, #tpu.memory_space<vmem>>, vector<16xi32>,
      %gather3A_51 = tpu.vector_load_idx %arg8[%get3A_50] : memref<100000xf32, #tpu.memory_space<vmem>>[vector<16xi32>], vector<16xf32>,
      %add3A_52 = arith.addf %add3A_46, %gather3A_51 : vector<16xf32>
      %get3A_53 = arith.constant 4 : i32
      %get3A_54 = arith.index_cast %get3A_53 : i32 to index
      %get3A_55 = arith.index_cast %add3A_29 : i32 to index
      %get3A_56 = tpu.vector_load %arg9[%get3A_54, %get3A_55] {strides = array<i32>} : memref<20x256xi32, #tpu.memory_space<vmem>>, vector<16xi32>,
      %gather3A_57 = tpu.vector_load_idx %arg8[%get3A_56] : memref<100000xf32, #tpu.memory_space<vmem>>[vector<16xi32>], vector<16xf32>,
      %add3A_58 = arith.addf %add3A_52, %gather3A_57 : vector<16xf32>
      %get3A_59 = arith.constant 5 : i32
      %get3A_60 = arith.index_cast %get3A_59 : i32 to index
      %get3A_61 = arith.index_cast %add3A_29 : i32 to index
      %get3A_62 = tpu.vector_load %arg9[%get3A_60, %get3A_61] {strides = array<i32>} : memref<20x256xi32, #tpu.memory_space<vmem>>, vector<16xi32>,
      %gather3A_63 = tpu.vector_load_idx %arg8[%get3A_62] : memref<100000xf32, #tpu.memory_space<vmem>>[vector<16xi32>], vector<16xf32>,
      %add3A_64 = arith.addf %add3A_58, %gather3A_63 : vector<16xf32>
      %get3A_65 = arith.constant 6 : i32
      %get3A_66 = arith.index_cast %get3A_65 : i32 to index
      %get3A_67 = arith.index_cast %add3A_29 : i32 to index
      %get3A_68 = tpu.vector_load %arg9[%get3A_66, %get3A_67] {strides = array<i32>} : memref<20x256xi32, #tpu.memory_space<vmem>>, vector<16xi32>,
      %gather3A_69 = tpu.vector_load_idx %arg8[%get3A_68] : memref<100000xf32, #tpu.memory_space<vmem>>[vector<16xi32>], vector<16xf32>,
      %add3A_70 = arith.addf %add3A_64, %gather3A_69 : vector<16xf32>
      %get3A_71 = arith.constant 7 : i32
      %get3A_72 = arith.index_cast %get3A_71 : i32 to index
      %get3A_73 = arith.index_cast %add3A_29 : i32 to index
      %get3A_74 = tpu.vector_load %arg9[%get3A_72, %get3A_73] {strides = array<i32>} : memref<20x256xi32, #tpu.memory_space<vmem>>, vector<16xi32>,
      %gather3A_75 = tpu.vector_load_idx %arg8[%get3A_74] : memref<100000xf32, #tpu.memory_space<vmem>>[vector<16xi32>], vector<16xf32>,
      %add3A_76 = arith.addf %add3A_70, %gather3A_75 : vector<16xf32>
      %get3A_77 = arith.constant 8 : i32
      %get3A_78 = arith.index_cast %get3A_77 : i32 to index
      %get3A_79 = arith.index_cast %add3A_29 : i32 to index
      %get3A_80 = tpu.vector_load %arg9[%get3A_78, %get3A_79] {strides = array<i32>} : memref<20x256xi32, #tpu.memory_space<vmem>>, vector<16xi32>,
      %gather3A_81 = tpu.vector_load_idx %arg8[%get3A_80] : memref<100000xf32, #tpu.memory_space<vmem>>[vector<16xi32>], vector<16xf32>,
      %add3A_82 = arith.addf %add3A_76, %gather3A_81 : vector<16xf32>
      %get3A_83 = arith.constant 9 : i32
      %get3A_84 = arith.index_cast %get3A_83 : i32 to index
      %get3A_85 = arith.index_cast %add3A_29 : i32 to index
      %get3A_86 = tpu.vector_load %arg9[%get3A_84, %get3A_85] {strides = array<i32>} : memref<20x256xi32, #tpu.memory_space<vmem>>, vector<16xi32>,
      %gather3A_87 = tpu.vector_load_idx %arg8[%get3A_86] : memref<100000xf32, #tpu.memory_space<vmem>>[vector<16xi32>], vector<16xf32>,
      %add3A_88 = arith.addf %add3A_82, %gather3A_87 : vector<16xf32>
      %get3A_89 = arith.constant 10 : i32
      %get3A_90 = arith.index_cast %get3A_89 : i32 to index
      %get3A_91 = arith.index_cast %add3A_29 : i32 to index
      %get3A_92 = tpu.vector_load %arg9[%get3A_90, %get3A_91] {strides = array<i32>} : memref<20x256xi32, #tpu.memory_space<vmem>>, vector<16xi32>,
      %gather3A_93 = tpu.vector_load_idx %arg8[%get3A_92] : memref<100000xf32, #tpu.memory_space<vmem>>[vector<16xi32>], vector<16xf32>,
      %add3A_94 = arith.addf %add3A_88, %gather3A_93 : vector<16xf32>
      %get3A_95 = arith.constant 11 : i32
      %get3A_96 = arith.index_cast %get3A_95 : i32 to index
      %get3A_97 = arith.index_cast %add3A_29 : i32 to index
      %get3A_98 = tpu.vector_load %arg9[%get3A_96, %get3A_97] {strides = array<i32>} : memref<20x256xi32, #tpu.memory_space<vmem>>, vector<16xi32>,
      %gather3A_99 = tpu.vector_load_idx %arg8[%get3A_98] : memref<100000xf32, #tpu.memory_space<vmem>>[vector<16xi32>], vector<16xf32>,
      %add3A_100 = arith.addf %add3A_94, %gather3A_99 : vector<16xf32>
      %get3A_101 = arith.constant 12 : i32
      %get3A_102 = arith.index_cast %get3A_101 : i32 to index
      %get3A_103 = arith.index_cast %add3A_29 : i32 to index
      %get3A_104 = tpu.vector_load %arg9[%get3A_102, %get3A_103] {strides = array<i32>} : memref<20x256xi32, #tpu.memory_space<vmem>>, vector<16xi32>,
      %gather3A_105 = tpu.vector_load_idx %arg8[%get3A_104] : memref<100000xf32, #tpu.memory_space<vmem>>[vector<16xi32>], vector<16xf32>,
      %add3A_106 = arith.addf %add3A_100, %gather3A_105 : vector<16xf32>
      %get3A_107 = arith.constant 13 : i32
      %get3A_108 = arith.index_cast %get3A_107 : i32 to index
      %get3A_109 = arith.index_cast %add3A_29 : i32 to index
      %get3A_110 = tpu.vector_load %arg9[%get3A_108, %get3A_109] {strides = array<i32>} : memref<20x256xi32, #tpu.memory_space<vmem>>, vector<16xi32>,
      %gather3A_111 = tpu.vector_load_idx %arg8[%get3A_110] : memref<100000xf32, #tpu.memory_space<vmem>>[vector<16xi32>], vector<16xf32>,
      %add3A_112 = arith.addf %add3A_106, %gather3A_111 : vector<16xf32>
      %get3A_113 = arith.constant 14 : i32
      %get3A_114 = arith.index_cast %get3A_113 : i32 to index
      %get3A_115 = arith.index_cast %add3A_29 : i32 to index
      %get3A_116 = tpu.vector_load %arg9[%get3A_114, %get3A_115] {strides = array<i32>} : memref<20x256xi32, #tpu.memory_space<vmem>>, vector<16xi32>,
      %gather3A_117 = tpu.vector_load_idx %arg8[%get3A_116] : memref<100000xf32, #tpu.memory_space<vmem>>[vector<16xi32>], vector<16xf32>,
      %add3A_118 = arith.addf %add3A_112, %gather3A_117 : vector<16xf32>
      %get3A_119 = arith.constant 15 : i32
      %get3A_120 = arith.index_cast %get3A_119 : i32 to index
      %get3A_121 = arith.index_cast %add3A_29 : i32 to index
      %get3A_122 = tpu.vector_load %arg9[%get3A_120, %get3A_121] {strides = array<i32>} : memref<20x256xi32, #tpu.memory_space<vmem>>, vector<16xi32>,
      %gather3A_123 = tpu.vector_load_idx %arg8[%get3A_122] : memref<100000xf32, #tpu.memory_space<vmem>>[vector<16xi32>], vector<16xf32>,
      %add3A_124 = arith.addf %add3A_118, %gather3A_123 : vector<16xf32>
      %get3A_125 = arith.constant 16 : i32
      %get3A_126 = arith.index_cast %get3A_125 : i32 to index
      %get3A_127 = arith.index_cast %add3A_29 : i32 to index
      %get3A_128 = tpu.vector_load %arg9[%get3A_126, %get3A_127] {strides = array<i32>} : memref<20x256xi32, #tpu.memory_space<vmem>>, vector<16xi32>,
      %gather3A_129 = tpu.vector_load_idx %arg8[%get3A_128] : memref<100000xf32, #tpu.memory_space<vmem>>[vector<16xi32>], vector<16xf32>,
      %add3A_130 = arith.addf %add3A_124, %gather3A_129 : vector<16xf32>
      %get3A_131 = arith.constant 17 : i32
      %get3A_132 = arith.index_cast %get3A_131 : i32 to index
      %get3A_133 = arith.index_cast %add3A_29 : i32 to index
      %get3A_134 = tpu.vector_load %arg9[%get3A_132, %get3A_133] {strides = array<i32>} : memref<20x256xi32, #tpu.memory_space<vmem>>, vector<16xi32>,
      %gather3A_135 = tpu.vector_load_idx %arg8[%get3A_134] : memref<100000xf32, #tpu.memory_space<vmem>>[vector<16xi32>], vector<16xf32>,
      %add3A_136 = arith.addf %add3A_130, %gather3A_135 : vector<16xf32>
      %get3A_137 = arith.constant 18 : i32
      %get3A_138 = arith.index_cast %get3A_137 : i32 to index
      %get3A_139 = arith.index_cast %add3A_29 : i32 to index
      %get3A_140 = tpu.vector_load %arg9[%get3A_138, %get3A_139] {strides = array<i32>} : memref<20x256xi32, #tpu.memory_space<vmem>>, vector<16xi32>,
      %gather3A_141 = tpu.vector_load_idx %arg8[%get3A_140] : memref<100000xf32, #tpu.memory_space<vmem>>[vector<16xi32>], vector<16xf32>,
      %add3A_142 = arith.addf %add3A_136, %gather3A_141 : vector<16xf32>
      %get3A_143 = arith.constant 19 : i32
      %get3A_144 = arith.index_cast %get3A_143 : i32 to index
      %get3A_145 = arith.index_cast %add3A_29 : i32 to index
      %get3A_146 = tpu.vector_load %arg9[%get3A_144, %get3A_145] {strides = array<i32>} : memref<20x256xi32, #tpu.memory_space<vmem>>, vector<16xi32>,
      %gather3A_147 = tpu.vector_load_idx %arg8[%get3A_146] : memref<100000xf32, #tpu.memory_space<vmem>>[vector<16xi32>], vector<16xf32>,
      %add3A_148 = arith.addf %add3A_142, %gather3A_147 : vector<16xf32>
      %add3A_149 = arith.constant 768 : i32
      %add3A_150 = arith.addi %add3A_149, %add3A_29 : i32
      %swap3A = arith.index_cast %add3A_150 : i32 to index
      %swap3A_151 = tpu.vector_load %arg11[%swap3A] {strides = array<i32>} : memref<1024xf32, #tpu.memory_space<vmem>>, vector<16xf32>,
      tpu.vector_store %arg11[%swap3A], %add3A_148 {strides = array<i32>} : memref<1024xf32, #tpu.memory_space<vmem>>, vector<16xf32>,
    }
    %scan3A_19 = arith.constant 16 : i32
    "tpu.region"() ({
      %run_scoped3A = tpu.sem_alloc : memref<!tpu.dma_semaphore, #tpu.memory_space<semaphore_mem>>
      %dma_start3A = arith.constant 0 : i32
      %dma_start3A_25 = tpu.memref_slice %arg3[%add3A, %dma_start3A] : memref<32x100000xf32, #tpu.memory_space<hbm>> -> memref<1x100000xf32, #tpu.memory_space<hbm>>
      %dma_start3A_26 = tpu.memref_squeeze %dma_start3A_25 : memref<1x100000xf32, #tpu.memory_space<hbm>> -> memref<100000xf32, #tpu.memory_space<hbm>>
      %dma_start3A_27 = arith.constant 0 : i32
      %dma_start3A_28 = tpu.memref_slice %arg3[%add3A, %dma_start3A_27] : memref<32x100000xf32, #tpu.memory_space<hbm>> -> memref<1x100000xf32, #tpu.memory_space<hbm>>
      %dma_start3A_29 = tpu.memref_squeeze %dma_start3A_28 : memref<1x100000xf32, #tpu.memory_space<hbm>> -> memref<100000xf32, #tpu.memory_space<hbm>>
      tpu.enqueue_dma source(%dma_start3A_29 : memref<100000xf32, #tpu.memory_space<hbm>>) target(%arg8 : memref<100000xf32, #tpu.memory_space<vmem>>) target_semaphore(%run_scoped3A : memref<!tpu.dma_semaphore, #tpu.memory_space<semaphore_mem>>)
      %dma_wait3A = arith.constant 0 : i32
      %dma_wait3A_30 = tpu.memref_slice %arg3[%add3A, %dma_wait3A] : memref<32x100000xf32, #tpu.memory_space<hbm>> -> memref<1x100000xf32, #tpu.memory_space<hbm>>
      %dma_wait3A_31 = tpu.memref_squeeze %dma_wait3A_30 : memref<1x100000xf32, #tpu.memory_space<hbm>> -> memref<100000xf32, #tpu.memory_space<hbm>>
      %dma_wait3A_32 = arith.constant 0 : i32
      %dma_wait3A_33 = tpu.memref_slice %arg3[%add3A, %dma_wait3A_32] : memref<32x100000xf32, #tpu.memory_space<hbm>> -> memref<1x100000xf32, #tpu.memory_space<hbm>>
      %dma_wait3A_34 = tpu.memref_squeeze %dma_wait3A_33 : memref<1x100000xf32, #tpu.memory_space<hbm>> -> memref<100000xf32, #tpu.memory_space<hbm>>
      tpu.wait_dma2 semaphore(%run_scoped3A : memref<!tpu.dma_semaphore, #tpu.memory_space<semaphore_mem>>) src(%dma_wait3A_34 : memref<100000xf32, #tpu.memory_space<hbm>>) dst(%arg8 : memref<100000xf32, #tpu.memory_space<vmem>>)
      tpu.yield
    }) : () -> ()
    "tpu.region"() ({
      %run_scoped3A = tpu.sem_alloc : memref<!tpu.dma_semaphore, #tpu.memory_space<semaphore_mem>>
      tpu.enqueue_dma source(%arg5 : memref<1024xi32, #tpu.memory_space<hbm>>) target(%arg10 : memref<1024xi32, #tpu.memory_space<vmem>>) target_semaphore(%run_scoped3A : memref<!tpu.dma_semaphore, #tpu.memory_space<semaphore_mem>>)
      tpu.wait_dma2 semaphore(%run_scoped3A : memref<!tpu.dma_semaphore, #tpu.memory_space<semaphore_mem>>) src(%arg5 : memref<1024xi32, #tpu.memory_space<hbm>>) dst(%arg10 : memref<1024xi32, #tpu.memory_space<vmem>>)
      tpu.yield
    }) : () -> ()
    %scan3A_20 = arith.constant 0 : i32
    %scan3A_21 = arith.constant 64 : i32
    %scan3A_22 = arith.addi %scan3A_20, %scan3A_21 : i32
    %scan3A_23 = arith.constant 1 : i32
    scf.for %scan3A_25 = %scan3A_20 to %scan3A_22 step %scan3A_23  : i32 {
      %mul3A_26 = arith.constant 16 : i32
      %mul3A_27 = arith.muli %scan3A_25, %mul3A_26 : i32
      %add3A_28 = arith.constant 0 : i32
      %add3A_29 = arith.addi %add3A_28, %mul3A_27 : i32
      %get3A = arith.index_cast %add3A_29 : i32 to index
      %get3A_30 = tpu.vector_load %arg10[%get3A] {strides = array<i32>} : memref<1024xi32, #tpu.memory_space<vmem>>, vector<16xi32>,
      %gather3A = tpu.vector_load_idx %arg8[%get3A_30] : memref<100000xf32, #tpu.memory_space<vmem>>[vector<16xi32>], vector<16xf32>,
      %get3A_31 = arith.index_cast %add3A_29 : i32 to index
      %get3A_32 = tpu.vector_load %arg11[%get3A_31] {strides = array<i32>} : memref<1024xf32, #tpu.memory_space<vmem>>, vector<16xf32>,
      %mul3A_33 = arith.mulf %gather3A, %get3A_32 : vector<16xf32>
      %swap3A = arith.index_cast %add3A_29 : i32 to index
      %swap3A_34 = tpu.vector_load %arg12[%swap3A] {strides = array<i32>} : memref<1024xf32, #tpu.memory_space<vmem>>, vector<16xf32>,
      tpu.vector_store %arg12[%swap3A], %mul3A_33 {strides = array<i32>} : memref<1024xf32, #tpu.memory_space<vmem>>, vector<16xf32>,
    }
    %scan3A_24 = arith.constant 64 : i32
    "tpu.region"() ({
      %run_scoped3A = tpu.sem_alloc : memref<!tpu.dma_semaphore, #tpu.memory_space<semaphore_mem>>
      %dma_start3A = arith.constant 0 : i32
      %dma_start3A_25 = tpu.memref_slice %arg6[%add3A, %dma_start3A] : memref<32x1024xf32, #tpu.memory_space<hbm>> -> memref<1x1024xf32, #tpu.memory_space<hbm>>
      %dma_start3A_26 = tpu.memref_squeeze %dma_start3A_25 : memref<1x1024xf32, #tpu.memory_space<hbm>> -> memref<1024xf32, #tpu.memory_space<hbm>>
      %dma_start3A_27 = arith.constant 0 : i32
      %dma_start3A_28 = tpu.memref_slice %arg6[%add3A, %dma_start3A_27] : memref<32x1024xf32, #tpu.memory_space<hbm>> -> memref<1x1024xf32, #tpu.memory_space<hbm>>
      %dma_start3A_29 = tpu.memref_squeeze %dma_start3A_28 : memref<1x1024xf32, #tpu.memory_space<hbm>> -> memref<1024xf32, #tpu.memory_space<hbm>>
      tpu.enqueue_dma source(%arg11 : memref<1024xf32, #tpu.memory_space<vmem>>) target(%dma_start3A_29 : memref<1024xf32, #tpu.memory_space<hbm>>) target_semaphore(%run_scoped3A : memref<!tpu.dma_semaphore, #tpu.memory_space<semaphore_mem>>)
      %dma_wait3A = arith.constant 0 : i32
      %dma_wait3A_30 = tpu.memref_slice %arg6[%add3A, %dma_wait3A] : memref<32x1024xf32, #tpu.memory_space<hbm>> -> memref<1x1024xf32, #tpu.memory_space<hbm>>
      %dma_wait3A_31 = tpu.memref_squeeze %dma_wait3A_30 : memref<1x1024xf32, #tpu.memory_space<hbm>> -> memref<1024xf32, #tpu.memory_space<hbm>>
      %dma_wait3A_32 = arith.constant 0 : i32
      %dma_wait3A_33 = tpu.memref_slice %arg6[%add3A, %dma_wait3A_32] : memref<32x1024xf32, #tpu.memory_space<hbm>> -> memref<1x1024xf32, #tpu.memory_space<hbm>>
      %dma_wait3A_34 = tpu.memref_squeeze %dma_wait3A_33 : memref<1x1024xf32, #tpu.memory_space<hbm>> -> memref<1024xf32, #tpu.memory_space<hbm>>
      tpu.wait_dma2 semaphore(%run_scoped3A : memref<!tpu.dma_semaphore, #tpu.memory_space<semaphore_mem>>) src(%arg11 : memref<1024xf32, #tpu.memory_space<vmem>>) dst(%dma_wait3A_34 : memref<1024xf32, #tpu.memory_space<hbm>>)
      tpu.yield
    }) : () -> ()
    "tpu.region"() ({
      %run_scoped3A = tpu.sem_alloc : memref<!tpu.dma_semaphore, #tpu.memory_space<semaphore_mem>>
      %dma_start3A = arith.constant 0 : i32
      %dma_start3A_25 = tpu.memref_slice %arg7[%add3A, %dma_start3A] : memref<32x1024xf32, #tpu.memory_space<hbm>> -> memref<1x1024xf32, #tpu.memory_space<hbm>>
      %dma_start3A_26 = tpu.memref_squeeze %dma_start3A_25 : memref<1x1024xf32, #tpu.memory_space<hbm>> -> memref<1024xf32, #tpu.memory_space<hbm>>
      %dma_start3A_27 = arith.constant 0 : i32
      %dma_start3A_28 = tpu.memref_slice %arg7[%add3A, %dma_start3A_27] : memref<32x1024xf32, #tpu.memory_space<hbm>> -> memref<1x1024xf32, #tpu.memory_space<hbm>>
      %dma_start3A_29 = tpu.memref_squeeze %dma_start3A_28 : memref<1x1024xf32, #tpu.memory_space<hbm>> -> memref<1024xf32, #tpu.memory_space<hbm>>
      tpu.enqueue_dma source(%arg12 : memref<1024xf32, #tpu.memory_space<vmem>>) target(%dma_start3A_29 : memref<1024xf32, #tpu.memory_space<hbm>>) target_semaphore(%run_scoped3A : memref<!tpu.dma_semaphore, #tpu.memory_space<semaphore_mem>>)
      %dma_wait3A = arith.constant 0 : i32
      %dma_wait3A_30 = tpu.memref_slice %arg7[%add3A, %dma_wait3A] : memref<32x1024xf32, #tpu.memory_space<hbm>> -> memref<1x1024xf32, #tpu.memory_space<hbm>>
      %dma_wait3A_31 = tpu.memref_squeeze %dma_wait3A_30 : memref<1x1024xf32, #tpu.memory_space<hbm>> -> memref<1024xf32, #tpu.memory_space<hbm>>
      %dma_wait3A_32 = arith.constant 0 : i32
      %dma_wait3A_33 = tpu.memref_slice %arg7[%add3A, %dma_wait3A_32] : memref<32x1024xf32, #tpu.memory_space<hbm>> -> memref<1x1024xf32, #tpu.memory_space<hbm>>
      %dma_wait3A_34 = tpu.memref_squeeze %dma_wait3A_33 : memref<1x1024xf32, #tpu.memory_space<hbm>> -> memref<1024xf32, #tpu.memory_space<hbm>>
      tpu.wait_dma2 semaphore(%run_scoped3A : memref<!tpu.dma_semaphore, #tpu.memory_space<semaphore_mem>>) src(%arg12 : memref<1024xf32, #tpu.memory_space<vmem>>) dst(%dma_wait3A_34 : memref<1024xf32, #tpu.memory_space<hbm>>)
      tpu.yield
    }) : () -> ()
    return
  }
}

module attributes {stable_mosaic.version = 14 : i64} {
  func.func @_tc_body(%arg0: i32, %arg1: memref<32x1024xf32, #tpu.memory_space<vmem>>, %arg2: memref<32x1024xf32, #tpu.memory_space<vmem>>, %arg3: memref<32x2560xf32, #tpu.memory_space<vmem>>, %arg4: memref<1x1024xf32, #tpu.memory_space<vmem>>, %arg5: memref<1x1024xf32, #tpu.memory_space<vmem>>, %arg6: memref<32x1024xbf16, #tpu.memory_space<vmem>>, %arg7: memref<1x1024xf32, #tpu.memory_space<vmem>>) attributes {dimension_semantics = [#tpu.dimension_semantics<arbitrary>], iteration_bounds = array<i64: 40>, scalar_prefetch = 0 : i64, scratch_operands = 3 : i64, tpu.core_type = #tpu.core_type<tc>, window_params = [{pipeline_mode = #tpu.pipeline_mode<synchronous>, transform_indices = @transform_0, window_bounds = array<i64: 32, 1024>}, {pipeline_mode = #tpu.pipeline_mode<synchronous>, transform_indices = @transform_1, window_bounds = array<i64: 32, 1024>}, {transform_indices = @transform_2, window_bounds = array<i64: 32, 2560>}, {pipeline_mode = #tpu.pipeline_mode<synchronous>, transform_indices = @transform_3, window_bounds = array<i64: 1, 1024>}]} {
    %eq3A = arith.constant 0 : i32
    %eq3A_0 = arith.cmpi eq, %arg0, %eq3A : i32
    %convert_element_type3A = arith.extui %eq3A_0 : i1 to i32
    %cond3A = arith.constant 0 : i32
    %cond3A_1 = arith.cmpi ne, %convert_element_type3A, %cond3A : i32
    scf.if %cond3A_1 {
      %get3A_26 = arith.constant 0 : index
      %get3A_27 = arith.constant 0 : index
      %get3A_28 = vector.load %arg2[%get3A_26, %get3A_27] : memref<32x1024xf32, #tpu.memory_space<vmem>>, vector<32x1024xf32>
      %reduce_sum3A_29 = arith.constant dense<0.000000e+00> : vector<1024xf32>
      %reduce_sum3A_30 = vector.multi_reduction <add>, %get3A_28, %reduce_sum3A_29 [0] : vector<32x1024xf32> to vector<1024xf32>
      %broadcast_in_dim3A_31 = vector.shape_cast %reduce_sum3A_30 : vector<1024xf32> to vector<1x1024xf32>
      %mul3A_32 = arith.constant 5.000000e-02 : f32
      %mul3A_33 = vector.broadcast %mul3A_32 : f32 to vector<1x1024xf32>
      %mul3A_34 = arith.mulf %broadcast_in_dim3A_31, %mul3A_33 : vector<1x1024xf32>
      %swap3A_35 = arith.constant 0 : index
      %swap3A_36 = arith.constant 0 : index
      %swap3A_37 = vector.load %arg7[%swap3A_35, %swap3A_36] : memref<1x1024xf32, #tpu.memory_space<vmem>>, vector<1x1024xf32>
      tpu.vector_store %arg7[%swap3A_35, %swap3A_36], %mul3A_34 {strides = array<i32>} : memref<1x1024xf32, #tpu.memory_space<vmem>>, vector<1x1024xf32>,
      %get3A_38 = arith.constant 0 : index
      %get3A_39 = arith.constant 0 : index
      %get3A_40 = vector.load %arg1[%get3A_38, %get3A_39] : memref<32x1024xf32, #tpu.memory_space<vmem>>, vector<32x1024xf32>
      %mul3A_41 = arith.constant 0.0721347556 : f32
      %mul3A_42 = vector.broadcast %mul3A_41 : f32 to vector<32x1024xf32>
      %mul3A_43 = arith.mulf %get3A_40, %mul3A_42 : vector<32x1024xf32>
      %convert_element_type3A_44 = arith.truncf %mul3A_43 : vector<32x1024xf32> to vector<32x1024xbf16>
      %swap3A_45 = arith.constant 0 : index
      %swap3A_46 = arith.constant 0 : index
      %swap3A_47 = vector.load %arg6[%swap3A_45, %swap3A_46] : memref<32x1024xbf16, #tpu.memory_space<vmem>>, vector<32x1024xbf16>
      tpu.vector_store %arg6[%swap3A_45, %swap3A_46], %convert_element_type3A_44 {strides = array<i32>} : memref<32x1024xbf16, #tpu.memory_space<vmem>>, vector<32x1024xbf16>,
      %broadcast_in_dim3A_48 = arith.constant 0.000000e+00 : f32
      %broadcast_in_dim3A_49 = vector.broadcast %broadcast_in_dim3A_48 : f32 to vector<1x1024xf32>
      %swap3A_50 = arith.constant 0 : index
      %swap3A_51 = arith.constant 0 : index
      %swap3A_52 = vector.load %arg5[%swap3A_50, %swap3A_51] : memref<1x1024xf32, #tpu.memory_space<vmem>>, vector<1x1024xf32>
      tpu.vector_store %arg5[%swap3A_50, %swap3A_51], %broadcast_in_dim3A_49 {strides = array<i32>} : memref<1x1024xf32, #tpu.memory_space<vmem>>, vector<1x1024xf32>,
    } else {
    }
    %iota3A = tpu.iota {dimensions = array<i32: 1>} : vector<32x2560xi32>
    %mul3A = arith.constant 2560 : i32
    %mul3A_2 = arith.muli %arg0, %mul3A : i32
    %sub3A = arith.constant 100000 : i32
    %sub3A_3 = arith.subi %sub3A, %mul3A_2 : i32
    %lt3A = vector.broadcast %sub3A_3 : i32 to vector<32x2560xi32>
    %lt3A_4 = arith.cmpi slt, %iota3A, %lt3A : vector<32x2560xi32>
    %get3A = arith.constant 0 : index
    %get3A_5 = arith.constant 0 : index
    %get3A_6 = vector.load %arg3[%get3A, %get3A_5] : memref<32x2560xf32, #tpu.memory_space<vmem>>, vector<32x2560xf32>
    %jit3A = arith.constant 0.000000e+00 : f32
    %broadcast_in_dim3A = vector.broadcast %jit3A : f32 to vector<32x2560xf32>
    %select_n3A = arith.select %lt3A_4, %get3A_6, %broadcast_in_dim3A : vector<32x2560xi1>, vector<32x2560xf32>
    %convert_element_type3A_7 = arith.truncf %select_n3A : vector<32x2560xf32> to vector<32x2560xbf16>
    %get3A_8 = arith.constant 0 : index
    %get3A_9 = arith.constant 0 : index
    %get3A_10 = vector.load %arg6[%get3A_8, %get3A_9] : memref<32x1024xbf16, #tpu.memory_space<vmem>>, vector<32x1024xbf16>
    %dot_general3A = arith.constant dense<0.000000e+00> : vector<2560x1024xf32>
    %dot_general3A_11 = tpu.matmul %convert_element_type3A_7, %get3A_10, %dot_general3A {dimension_numbers = #tpu.dot_dimension_numbers<[0], [0], [1], [1], [0, 1, 1, 1], [], []>, transpose_lhs_hint = false} : vector<32x2560xbf16>, vector<32x1024xbf16>, vector<2560x1024xf32> -> vector<2560x1024xf32>
    %convert_element_type3A_12 = arith.truncf %dot_general3A_11 : vector<2560x1024xf32> to vector<2560x1024xbf16>
    %exp23A = math.exp2 %convert_element_type3A_12 : vector<2560x1024xbf16>
    %get3A_13 = arith.constant 0 : index
    %get3A_14 = arith.constant 0 : index
    %get3A_15 = vector.load %arg5[%get3A_13, %get3A_14] : memref<1x1024xf32, #tpu.memory_space<vmem>>, vector<1x1024xf32>
    %convert_element_type3A_16 = arith.extf %exp23A : vector<2560x1024xbf16> to vector<2560x1024xf32>
    %reduce_sum3A = arith.constant dense<0.000000e+00> : vector<1024xf32>
    %reduce_sum3A_17 = vector.multi_reduction <add>, %convert_element_type3A_16, %reduce_sum3A [0] : vector<2560x1024xf32> to vector<1024xf32>
    %broadcast_in_dim3A_18 = vector.shape_cast %reduce_sum3A_17 : vector<1024xf32> to vector<1x1024xf32>
    %add3A = arith.addf %get3A_15, %broadcast_in_dim3A_18 : vector<1x1024xf32>
    %swap3A = arith.constant 0 : index
    %swap3A_19 = arith.constant 0 : index
    %swap3A_20 = vector.load %arg5[%swap3A, %swap3A_19] : memref<1x1024xf32, #tpu.memory_space<vmem>>, vector<1x1024xf32>
    tpu.vector_store %arg5[%swap3A, %swap3A_19], %add3A {strides = array<i32>} : memref<1x1024xf32, #tpu.memory_space<vmem>>, vector<1x1024xf32>,
    %eq3A_21 = arith.constant 39 : i32
    %eq3A_22 = arith.cmpi eq, %arg0, %eq3A_21 : i32
    %convert_element_type3A_23 = arith.extui %eq3A_22 : i1 to i32
    %cond3A_24 = arith.constant 0 : i32
    %cond3A_25 = arith.cmpi ne, %convert_element_type3A_23, %cond3A_24 : i32
    scf.if %cond3A_25 {
      %get3A_26 = arith.constant 0 : index
      %get3A_27 = arith.constant 0 : index
      %get3A_28 = vector.load %arg5[%get3A_26, %get3A_27] : memref<1x1024xf32, #tpu.memory_space<vmem>>, vector<1x1024xf32>
      %sub3A_29 = arith.constant 2.400000e+03 : f32
      %sub3A_30 = vector.broadcast %sub3A_29 : f32 to vector<1x1024xf32>
      %sub3A_31 = arith.subf %get3A_28, %sub3A_30 : vector<1x1024xf32>
      %log3A = math.log %sub3A_31 : vector<1x1024xf32>
      %get3A_32 = arith.constant 0 : index
      %get3A_33 = arith.constant 0 : index
      %get3A_34 = vector.load %arg7[%get3A_32, %get3A_33] : memref<1x1024xf32, #tpu.memory_space<vmem>>, vector<1x1024xf32>
      %sub3A_35 = arith.subf %log3A, %get3A_34 : vector<1x1024xf32>
      %swap3A_36 = arith.constant 0 : index
      %swap3A_37 = arith.constant 0 : index
      %swap3A_38 = vector.load %arg4[%swap3A_36, %swap3A_37] : memref<1x1024xf32, #tpu.memory_space<vmem>>, vector<1x1024xf32>
      tpu.vector_store %arg4[%swap3A_36, %swap3A_37], %sub3A_35 {strides = array<i32>} : memref<1x1024xf32, #tpu.memory_space<vmem>>, vector<1x1024xf32>,
    } else {
    }
    return
  }
  func.func @transform_0(%arg0: i32) -> (i32, i32) {
    %c0_i32 = arith.constant 0 : i32
    %c0_i32_0 = arith.constant 0 : i32
    %c0_i32_1 = arith.constant 0 : i32
    return %c0_i32, %c0_i32_0 : i32, i32
  }
  func.func @transform_1(%arg0: i32) -> (i32, i32) {
    %c0_i32 = arith.constant 0 : i32
    %c0_i32_0 = arith.constant 0 : i32
    %c0_i32_1 = arith.constant 0 : i32
    return %c0_i32, %c0_i32_0 : i32, i32
  }
  func.func @transform_2(%arg0: i32) -> (i32, i32) {
    %c0_i32 = arith.constant 0 : i32
    %c0_i32_0 = arith.constant 0 : i32
    return %c0_i32, %arg0 : i32, i32
  }
  func.func @transform_3(%arg0: i32) -> (i32, i32) {
    %c0_i32 = arith.constant 0 : i32
    %c0_i32_0 = arith.constant 0 : i32
    %c0_i32_1 = arith.constant 0 : i32
    return %c0_i32, %c0_i32_0 : i32, i32
  }
}

</mosaic_0001>

<sc_bundles>
// kernel: kernel.4.cloned.1.call-start
scs
__scs_entry_jumppad:
0x0: {  	(pc) =	sbr.rel $0x88, $3  }
0x1: {  	(tag) =	ssettag $0x0;
	lr =	simm.s32 $0x1  }
0x2: {  	[smem:$0x3F9D] =	sst lr;
	_ =	strace $0xD0000000  }
0x3: {  	_ = 	snop  }
0x4: {  	_ = 	snop  }
0x5: {  	_ = 	snop  }
0x6: {  	_ = 	snop  }
0x7: {  	_ = 	snop  }
__scs_overlays_trampoline_lowered:
0x8: {  	[smem:$0x3FAC] =	sst s0  }
0x9: {  	[smem:$0x3FAD] =	sst s1  }
0xa: {  	[smem:$0x3FAE] =	sst s2  }
0xb: {  	[smem:$0x3FAF] =	sst s3  }
0xc: {  	[smem:$0x3FB0] =	sst s4  }
0xd: {  	[smem:$0x3FB1] =	sst s5  }
0xe: {  	[smem:$0x3FB2] =	sst s6  }
0xf: {  	[smem:$0x3FB3] =	sst s7  }
0x10: {  	[smem:$0x3FB4] =	sst s8  }
0x11: {  	[smem:$0x3FB5] =	sst s9;
	s0 =	simm.s32 @!p0 $0x0  }
0x12: {  	s1 =	sld [smem:$0x3F9B];
	s0 =	simm.s32 @p0 $0x1  }
0x13: {  	[smem:$0x3FB6] =	sst s0;
	s0 =	simm.s32 @!p1 $0x0  }
0x14: {  	s2 =	sld [smem:$0x3F9A];
	s0 =	simm.s32 @p1 $0x1  }
0x15: {  	[smem:$0x3FB7] =	sst s0;
	s0 =	simm.s32 @!p2 $0x0  }
0x16: {  	s3 =	sld [smem:$0x3FDB];
	s0 =	simm.s32 @p2 $0x1  }
0x17: {  	s4 =	simm.s32 $0x1BF5;
	[smem:$0x3FB9] =	sst s0  }
0x18: {  	s0 =	sld [smem:$0x3F9C];
	_ =	swait.ge [sflag:s4], $0x0  }
0x19: {  	s7 =	sld [smem:$0x3F9D]  }
0x1a: {  	s8 =	sadd.s32 $0xFFFFE003, lr  }
0x1b: {  	s9 =	sadd.s32 $0xFFFFFEF7, lr;
	s5 =	simm.s32 $0xFFFFFFFF;
	p2 =	slt.u32 s8, $0xFFFFF086  }
0x1c: {  	p1 =	slt.u32 s9, $0xF7A;
	s5 =	simm.s32 @!p2 $0x0  }
0x1d: {  	s5 =	simm.s32 @p1 $0x1;
	p0 =	seq.s32 s7, s2  }
0x1e: {  	s7 =	smul.u32 @!p0 $0xF7A, s2;
	p2 =	seq.s32 @!p0 s5, $0x0  }
0x1f: {  	s9 =	smul.u32 $0xF7A, s1;
	s8 =	simm.s32 @!p0 $0x1BF5;
	p2 =	por !p2, p0  }
0x20: {  	[sflag:s8] =	ssyncset.s32 @!p0 $0xFFFFF086;
	s6 =	sadd.s32 @!p0 s3, s7;
	s7 =	simm.s32 @!p0 $0x108  }
0x21: {  	s3 =	sadd.s32 s3, s9;
	s6 =	sadd.s32 @!p0 $0x88, s6;
	s7 =	simm.s32 @p2 $0x1082  }
0x22: {  	[simem:s7], [sflag:s8] =	dma.local @!p0 [hbm:s6], $0xF7A  }
0x23: {  	s9 =	sor.u32 $0xD0000000, s2;
	s6 =	simm.s32 $0x108;
	_ =	swait.ge @!p0 [sflag:s8], $0x0  }
0x24: {  	s3 =	sadd.s32 $0x88, s3;
	s6 =	simm.s32 @!p1 $0x1082;
	[sflag:s4] =	ssyncset.s32 $0xFFFFF086  }
0x25: {  	[simem:s6], [sflag:s4] =	dma.local [hbm:s3], $0xF7A  }
0x26: {  	[smem:$0x3F9D] =	sst s1;
	(tag) =	ssettag s2;
	_ =	strace s9  }
0x27: {  	s1 =	sld [smem:$0x3FAD]  }
0x28: {  	s2 =	sld [smem:$0x3FAE]  }
0x29: {  	s4 =	sld [smem:$0x3FB0]  }
0x2a: {  	p0 =	seq.s32 s5, $0x0;
	s5 =	sld [smem:$0x3FB1]  }
0x2b: {  	s6 =	sld [smem:$0x3FB2]  }
0x2c: {  	s7 =	sld [smem:$0x3FB3]  }
0x2d: {  	s3 =	simm.s32 $0x108;
	s8 =	sld [smem:$0x3FB4]  }
0x2e: {  	s3 =	simm.s32 @!p0 $0x1082;
	s9 =	sld [smem:$0x3FB5]  }
0x2f: {  	lr =	sadd.s32 s0, s3;
	s0 =	sld [smem:$0x3FAC]  }
0x30: {  	s3 =	sld [smem:$0x3FAF]  }
0x31: {  	[smem:$0x3FB8] =	sst s10  }
0x32: {  	s10 =	sld [smem:$0x3FB6];
	_ =	sdelay $0x3  }
0x33: {  	p0 =	seq.s32 s10, $0x1;
	s10 =	sld [smem:$0x3FB8];
	_ =	sdelay $0x3  }
0x34: {  	[smem:$0x3FB8] =	sst s10  }
0x35: {  	s10 =	sld [smem:$0x3FB7];
	_ =	sdelay $0x3  }
0x36: {  	p1 =	seq.s32 s10, $0x1;
	s10 =	sld [smem:$0x3FB8];
	_ =	sdelay $0x3  }
0x37: {  	[smem:$0x3FB8] =	sst s10  }
0x38: {  	s10 =	sld [smem:$0x3FB9]  }
0x39: {  	_ = 	snop;
	(pc) =	sbr.ind lr, $3  }
0x3a: {  	_ = 	snop  }
0x3b: {  	_ = 	snop  }
0x3c: {  	p2 =	seq.s32 s10, $0x1;
	s10 =	sld [smem:$0x3FB8]  }
0x3d: {  	_ =	shalt  }
0x3e: {  	_ =	shalt  }
0x3f: {  	_ =	shalt  }
0x40: {  	_ =	shalt  }
0x41: {  	_ =	shalt  }
0x42: {  	_ =	shalt  }
0x43: {  	_ =	shalt  }
0x44: {  	_ =	shalt  }
0x45: {  	_ =	shalt  }
0x46: {  	_ =	shalt  }
0x47: {  	_ =	shalt  }
0x48: {  	_ =	shalt  }
0x49: {  	_ =	shalt  }
0x4a: {  	_ =	shalt  }
0x4b: {  	_ =	shalt  }
0x4c: {  	_ =	shalt  }
0x4d: {  	_ =	shalt  }
0x4e: {  	_ =	shalt  }
0x4f: {  	_ =	shalt  }
0x50: {  	_ =	shalt  }
0x51: {  	_ =	shalt  }
0x52: {  	_ =	shalt  }
0x53: {  	_ =	shalt  }
0x54: {  	_ =	shalt  }
0x55: {  	_ =	shalt  }
0x56: {  	_ =	shalt  }
0x57: {  	_ =	shalt  }
0x58: {  	_ =	shalt  }
0x59: {  	_ =	shalt  }
0x5a: {  	_ =	shalt  }
0x5b: {  	_ =	shalt  }
0x5c: {  	_ =	shalt  }
0x5d: {  	_ =	shalt  }
0x5e: {  	_ =	shalt  }
0x5f: {  	_ =	shalt  }
0x60: {  	_ =	shalt  }
0x61: {  	_ =	shalt  }
0x62: {  	_ =	shalt  }
0x63: {  	_ =	shalt  }
0x64: {  	_ =	shalt  }
0x65: {  	_ =	shalt  }
0x66: {  	_ =	shalt  }
0x67: {  	_ =	shalt  }
0x68: {  	_ =	shalt  }
0x69: {  	_ =	shalt  }
0x6a: {  	_ =	shalt  }
0x6b: {  	_ =	shalt  }
0x6c: {  	_ =	shalt  }
0x6d: {  	_ =	shalt  }
0x6e: {  	_ =	shalt  }
0x6f: {  	_ =	shalt  }
0x70: {  	_ =	shalt  }
0x71: {  	_ =	shalt  }
0x72: {  	_ =	shalt  }
0x73: {  	_ =	shalt  }
0x74: {  	_ =	shalt  }
0x75: {  	_ =	shalt  }
0x76: {  	_ =	shalt  }
0x77: {  	_ =	shalt  }
0x78: {  	_ =	shalt  }
0x79: {  	_ =	shalt  }
0x7a: {  	_ =	shalt  }
0x7b: {  	_ =	shalt  }
0x7c: {  	_ =	shalt  }
0x7d: {  	_ =	shalt  }
0x7e: {  	_ =	shalt  }
0x7f: {  	_ =	shalt  }
0x80: {  	_ =	shalt  }
0x81: {  	_ =	shalt  }
0x82: {  	_ =	shalt  }
0x83: {  	_ =	shalt  }
0x84: {  	_ =	shalt  }
0x85: {  	_ =	shalt  }
0x86: {  	_ =	shalt  }
0x87: {  	_ =	shalt  }
.Lfunc_end0:
.L_simem_size_0:
called_computation_lowered:
.L_overlay_start_0:
0x88: {  	s2 =	sld [smem:$0x3FD9]  }
0x89: {  	s3 =	sld [smem:$0x3FFE];
	_ =	sdelay $0x1  }
0x8a: {  	s1 =	srdreg.scid  }
0x8b: {  	s0 =	sand.u32 $0x1, s1  }
0x8c: {  	s17 =	sshll.u32 s0, $0xA;
	s2 =	sadd.s32 s3, s2  }
0x8d: {  	s2 =	sadd.s32 s2, s17  }
0x8e: {  	[smem:$0x3FC4] =	sst s2  }
0x8f: {  	_ = 	snop  }
0x90: {  	s2 =	sld [smem:$0x3FC9]  }
0x91: {  	s18 =	sld [smem:$0x3FC8]  }
0x92: {  	s4 =	sld [smem:$0x3FC7]  }
0x93: {  	s5 =	sld [smem:$0x3FC6];
	(tm) =	ssettm $0x1  }
0x94: {  	s6 =	sld [smem:$0x3FFB];
	_ =	sdelay $0x3  }
0x95: {  	_ =	strace s6  }
0x96: {  	s6 =	sld [smem:$0x3FFC];
	_ =	sdelay $0x3  }
0x97: {  	_ =	strace s6  }
0x98: {  	s6 =	sld [smem:$0x3FFD];
	_ =	sdelay $0x3  }
0x99: {  	_ =	strace s6  }
0x9a: {  	_ =	strace $0x8FFFFFFF  }
0x9b: {  	s19 =	sld [smem:$0x3FDB];
	_ =	sdelay $0x1  }
0x9c: {  	s7 =	simm.s32 $_scs_section_size  }
0x9d: {  	s8 =	simm.s32 $_size__tile_overlayer_lowered;
	s9 =	simm.s32 $_tile_overlayer_lowered  }
0x9e: {  	s22 =	simm.s32 $0x1BFF;
	s21 =	sshll.u32 s9, $0x1;
	s6 =	sadd.s32 s7, s19  }
0x9f: {  	s10 =	simm.s32 $0x0;
	s20 =	sshll.u32 s8, $0x1;
	s8 =	sadd.s32 s21, s6  }
0xa0: {  	[timem:s10], [sflag:s22] =	dma.local [hbm:s8], s20  }
0xa1: {  	_ =	swait.ge [sflag:s22], s20  }
0xa2: {  	s7 =	ssub.s32 $0x0, s20;
	[sflag:s22] =	ssyncset.done $0x0  }
0xa3: {  	[sflag:s22] =	ssyncadd.s32 s7;
	_ =	sdelay $0x1  }
0xa4: {  	s23 =	simm.s32 $0x1B8B  }
0xa5: {  	_ =	swait.ge [sflag:s23], $0x1  }
0xa6: {  	[sflag:s23] =	ssyncset.done $0x0  }
0xa7: {  	s25 =	simm.s32 $0x1B8E;
	s24 =	sld [smem:$0x3FFE];
	[sflag:s23] =	ssyncadd.s32 $0xFFFFFFFF  }
0xa8: {  	s26 =	simm.s32 $execute0_lowered;
	[smem:$0x3FD2] =	sst s25  }
0xa9: {  	s8 =	sshll.u32 s26, $0x1;
	_ =	strace $0x80000046;
	[dreg:$0x1] =	wrdreg $0xFFFFFFFF  }
0xaa: {  	s28 =	simm.s32 $_size_execute0_lowered;
	s6 =	sadd.s32 s6, s8;
	[dreg:$0x0] =	wrdreg $0x0  }
0xab: {  	s8 =	sshll.u32 s28, $0x1;
	[dreg:$0x2] =	wrdreg s6  }
0xac: {  	[dreg:$0x3] =	wrdreg s8  }
0xad: {  	[dreg:$0x4] =	wrdreg $0xC0  }
0xae: {  	_ =	task [dreg:s10], $0x5FFFF  }
0xaf: {  	[dreg:$0x1] =	wrdreg $0xFFFFFFFF  }
0xb0: {  	[dreg:$0x0] =	wrdreg $0x60  }
0xb1: {  	[dreg:$0x2] =	wrdreg s4  }
0xb2: {  	[dreg:$0x3] =	wrdreg s5  }
0xb3: {  	[dreg:$0x4] =	wrdreg s2  }
0xb4: {  	[dreg:$0x5] =	wrdreg s18  }
0xb5: {  	[dreg:$0x6] =	wrdreg s24  }
0xb6: {  	[dreg:$0x7] =	wrdreg $0x9  }
0xb7: {  	_ =	task.clear_ibuf [dreg:s10], $0x8FFFF;
	_ =	strace $0x90000046  }
0xb8: {  	s29 =	simm.s32 $0x9;
	_ =	strace $0x80000048  }
0xb9: {  	_ =	swait.ge [sflag:s29], $0x1  }
0xba: {  	[sflag:s29] =	ssyncadd.s32 $0xFFFFFFFF  }
0xbb: {  	_ =	strace $0x90000048  }
0xbc: {  	_ =	sfence  }
0xbd: {  	s30 =	sld [smem:$0x0];
	_ =	sdelay $0x2  }
0xbe: {  	s31 =	sshll.u32 s1, $0xD;
	s1 =	sshrl.u32 s1, $0x2  }
0xbf: {  	s3 =	sand.u32 $0x4000, s31;
	s1 =	sadd.s32 s1, s30  }
0xc0: {  	s0 =	sor.u32 s3, s0;
	s1 =	sshll.u32 s1, $0x11  }
0xc1: {  	s0 =	sor.u32 s1, s0  }
0xc2: {  	s0 =	sadd.s32 $0x8F2B, s0  }
0xc3: {  	[sflag:s0] =	ssyncadd.remote.s32 $0x1  }
0xc4: {  	_ =	sfence.sel $0xFFFF  }
0xc5: {  	[dreg:$0x0] =	wrdreg $0xFFFFFFFF;
	(pc) =	sbr.abs _section_cstart, $3  }
0xc6: {  	[dreg:$0x1] =	wrdreg $0xFFFFFFFF  }
0xc7: {  	_ =	task.clear_ibuf [dreg:s10], $0x2FFFF;
	_ =	strace $0x9FFFFFFF  }
0xc8: {  	(tm) =	ssettm $0x7FFFFFFF  }
0xc9: {  	_ =	shalt  }
tec
execute0_lowered:
.L_overlay_start_1:
0x0: {  	(tag) =	ssettag $0x1  }
0x1: {  	s5 =	rddreg [dreg:$0x0]  }
0x2: {  	s9 =	rddreg [dreg:$0x1]  }
0x3: {  	s1 =	rddreg [dreg:$0x2]  }
0x4: {  	s2 =	rddreg [dreg:$0x3]  }
0x5: {  	s6 =	rddreg [dreg:$0x4]  }
0x6: {  	s0 =	rddreg [dreg:$0x5]  }
0x7: {  	s4 =	simm.s32 $0x0;
	s7 =	srdreg.scid;
	s3 =	stileid.u32  }
0x8: {  	s13 =	simm.s32 $0x80;
	s14 =	simm.s32 $0x400;
	s15 =	simm.s32 $0x1  }
0x9: {  	s16 =	simm.s32 $0x800;
	s17 =	simm.s32 $0x2000;
	s18 =	simm.s32 $0x18700  }
0xa: {  	s19 =	simm.s32 $0x19F00;
	s20 =	simm.s32 $0x1A300;
	s21 =	simm.s32 $0x1A700  }
0xb: {  	s22 =	simm.s32 $0x0;
	[smem:$0x7FF] =	sst s4;
	s7 =	sand.u32 $0x1, s7  }
0xc: {  	s8 =	sshll.u32 s3, $0x8;
	s10 =	sshrl.u32 s3, $0x2;
	s11 =	sshll.u32 s7, $0x7  }
0xd: {  	s8 =	sand.u32 $0x300, s8;
	s31 =	sshll.u32 s10, $0xD;
	s10 =	smul.u32 $0xC3800, s10  }
0xe: {  	_ =	strace $0x80000047;
	s7 =	ssub.s32 $0x2, s7;
	s8 =	sor.u32 s11, s8  }
0xf: {  	s12 =	sshrl.u32 s7, $0x1;
	s11 =	sor.u32 s31, s8;
	s8 =	sor.u32 s10, s8  }
0x10: {  	s12 =	ssub.s32 s7, s12;
	s7 =	sadd.s32 $0x200, s1;
	s11 =	sshrl.u32 s11, $0x3  }
0x11: {  	s10 =	sshrl.u32 s8, $0x3;
	s8 =	sadd.s32 $0x300, s1;
	s12 =	smax.u32 s12, $0x1  }
0x12: {  	s11 =	sadd.s32 s11, s6;
	s5 =	sadd.s32 s5, s10;
	s6 =	sadd.s32 $0x100, s1  }
0x13: {  	s9 =	sadd.s32 s9, s10;
	s10 =	sadd.s32 $0xE00, s11;
	s11 =	sadd.s32 $0x1E00, s11  }
.LBB2_1:
0x14: {  	[tilespmem:s4], [sflag:$0x1] =	stream.strided.gather [hbm4b:s5+s13], $0x18700, s14, s13, $0x38;
	[tilespmem:$0x1AB00] =	vst v63  }
0x15: {  	_ =	swait.ge [sflag:s15], $0x18700  }
0x16: {  	[sflag:s15] =	ssyncset.done $0x0  }
0x17: {  	[sflag:s15] =	ssyncadd.s32 $0xFFFE7900  }
0x18: {  	[tilespmem:s18], [sflag:$0x1] =	stream.strided.gather [hbm4b:s1+s16], $0x1800, s17, s16, $0x38;
	[tilespmem:$0x1AB00] =	vst v63  }
0x19: {  	_ =	swait.ge [sflag:s15], $0x1800  }
0x1a: {  	s23 =	sand.u32 $0x70, s4;
	s24 =	sand.u32 $0x400, s4;
	[sflag:s15] =	ssyncset.done $0x0  }
0x1b: {  	s23 =	sor.u32 s23, s24;
	[sflag:s15] =	ssyncadd.s32 $0xFFFFE800  }
0x1c: {  	v0 =	vld [tilespmem:s23+$0x18700]  }
0x1d: {  	s24 =	sadd.s32 $0x18700, s23  }
0x1e: {  	v1 =	vld [tilespmem:s24+$0x80];
	_ =	sdelay $0x1  }
0x1f: {  	v2 =	vld [tilespmem:s24+$0x100];
	_ =	sdelay $0x1  }
0x20: {  	v3 =	vld [tilespmem:s24+$0x180]  }
0x21: {  	v4 =	vld [tilespmem:s24+$0x200]  }
0x22: {  	v0 =	vld.idx.msk [tilespmem:v0+s4+$0x0], $0xffff  }
0x23: {  	v5 =	vld [tilespmem:s24+$0x280]  }
0x24: {  	v1 =	vld.idx.msk [tilespmem:v1+s4+$0x0], $0xffff  }
0x25: {  	v6 =	vld [tilespmem:s24+$0x300]  }
0x26: {  	v2 =	vld.idx.msk [tilespmem:v2+s4+$0x0], $0xffff  }
0x27: {  	v7 =	vld [tilespmem:s24+$0x380];
	v0 =	vadd.f32 $0.0e+00, v0  }
0x28: {  	v3 =	vld.idx.msk [tilespmem:v3+s4+$0x0], $0xffff  }
0x29: {  	v8 =	vld [tilespmem:s23+$0x18F00];
	v0 =	vadd.f32 v1, v0  }
0x2a: {  	v1 =	vld.idx.msk [tilespmem:v4+s4+$0x0], $0xffff  }
0x2b: {  	v53 =	vld [tilespmem:s23+$0x18F80];
	v0 =	vadd.f32 v2, v0  }
0x2c: {  	v2 =	vld.idx.msk [tilespmem:v5+s4+$0x0], $0xffff  }
0x2d: {  	v54 =	vld [tilespmem:s23+$0x19000];
	v0 =	vadd.f32 v3, v0  }
0x2e: {  	v3 =	vld.idx.msk [tilespmem:v6+s4+$0x0], $0xffff  }
0x2f: {  	v55 =	vld [tilespmem:s23+$0x19080];
	v0 =	vadd.f32 v1, v0  }
0x30: {  	v1 =	vld.idx.msk [tilespmem:v7+s4+$0x0], $0xffff  }
0x31: {  	v56 =	vld [tilespmem:s23+$0x19100];
	v0 =	vadd.f32 v2, v0  }
0x32: {  	v2 =	vld.idx.msk [tilespmem:v8+s4+$0x0], $0xffff  }
0x33: {  	v57 =	vld [tilespmem:s23+$0x19180];
	v0 =	vadd.f32 v3, v0  }
0x34: {  	v3 =	vld.idx.msk [tilespmem:v53+s4+$0x0], $0xffff  }
0x35: {  	v58 =	vld [tilespmem:s23+$0x19200];
	v0 =	vadd.f32 v1, v0  }
0x36: {  	v1 =	vld.idx.msk [tilespmem:v54+s4+$0x0], $0xffff  }
0x37: {  	v59 =	vld [tilespmem:s23+$0x19280];
	v0 =	vadd.f32 v2, v0  }
0x38: {  	v2 =	vld.idx.msk [tilespmem:v55+s4+$0x0], $0xffff  }
0x39: {  	v60 =	vld [tilespmem:s23+$0x19700];
	v0 =	vadd.f32 v3, v0  }
0x3a: {  	v3 =	vld.idx.msk [tilespmem:v56+s4+$0x0], $0xffff  }
0x3b: {  	v61 =	vld [tilespmem:s23+$0x19780];
	v0 =	vadd.f32 v1, v0  }
0x3c: {  	v1 =	vld.idx.msk [tilespmem:v57+s4+$0x0], $0xffff  }
0x3d: {  	v62 =	vld [tilespmem:s23+$0x19800];
	v0 =	vadd.f32 v2, v0  }
0x3e: {  	v2 =	vld.idx.msk [tilespmem:v58+s4+$0x0], $0xffff  }
0x3f: {  	v63 =	vld [tilespmem:s23+$0x19880];
	v0 =	vadd.f32 v3, v0  }
0x40: {  	v3 =	vld.idx.msk [tilespmem:v59+s4+$0x0], $0xffff  }
0x41: {  	v0 =	vadd.f32 v1, v0  }
0x42: {  	v1 =	vld.idx.msk [tilespmem:v60+s4+$0x0], $0xffff  }
0x43: {  	v0 =	vadd.f32 v2, v0  }
0x44: {  	v2 =	vld.idx.msk [tilespmem:v61+s4+$0x0], $0xffff  }
0x45: {  	v0 =	vadd.f32 v3, v0  }
0x46: {  	v3 =	vld.idx.msk [tilespmem:v62+s4+$0x0], $0xffff  }
0x47: {  	v0 =	vadd.f32 v1, v0  }
0x48: {  	v1 =	vld.idx.msk [tilespmem:v63+s4+$0x0], $0xffff  }
0x49: {  	v0 =	vadd.f32 v2, v0;
	_ =	sdelay $0x1  }
0x4a: {  	v0 =	vadd.f32 v3, v0;
	_ =	sdelay $0x1  }
0x4b: {  	s31 =	simm.s32 $0x10;
	s25 =	simm.s32 $0x20;
	s24 =	simm.s32 $0x80;
	v0 =	vadd.f32 v1, v0  }
0x4c: {  	s26 =	sand.u32 $0x70, s31;
	s23 =	simm.s32 $0x1A300;
	s28 =	sand.u32 $0x400, s24  }
.LBB2_2:
0x4d: {  	p0 =	sne.s32 s25, $0xF0;
	s26 =	sor.u32 s26, s28;
	[tilespmem:s23+$0x0] =	vst v0  }
0x4e: {  	v0 =	vld [tilespmem:s26+$0x18700]  }
0x4f: {  	s28 =	sadd.s32 $0x18700, s26  }
0x50: {  	v1 =	vld [tilespmem:s28+$0x80];
	_ =	sdelay $0x1  }
0x51: {  	v2 =	vld [tilespmem:s28+$0x100];
	_ =	sdelay $0x1  }
0x52: {  	v3 =	vld [tilespmem:s28+$0x180]  }
0x53: {  	v4 =	vld [tilespmem:s28+$0x200]  }
0x54: {  	v0 =	vld.idx.msk [tilespmem:v0+s4+$0x0], $0xffff  }
0x55: {  	v5 =	vld [tilespmem:s28+$0x280]  }
0x56: {  	v1 =	vld.idx.msk [tilespmem:v1+s4+$0x0], $0xffff  }
0x57: {  	v6 =	vld [tilespmem:s28+$0x300]  }
0x58: {  	v2 =	vld.idx.msk [tilespmem:v2+s4+$0x0], $0xffff  }
0x59: {  	v7 =	vld [tilespmem:s28+$0x380]  }
0x5a: {  	v0 =	vadd.f32 $0.0e+00, v0;
	v3 =	vld.idx.msk [tilespmem:v3+s4+$0x0], $0xffff  }
0x5b: {  	v8 =	vld [tilespmem:s26+$0x18F00]  }
0x5c: {  	v0 =	vadd.f32 v1, v0;
	v1 =	vld.idx.msk [tilespmem:v4+s4+$0x0], $0xffff  }
0x5d: {  	v4 =	vld [tilespmem:s26+$0x18F80]  }
0x5e: {  	v0 =	vadd.f32 v2, v0;
	v2 =	vld.idx.msk [tilespmem:v5+s4+$0x0], $0xffff  }
0x5f: {  	v5 =	vld [tilespmem:s26+$0x19000]  }
0x60: {  	v0 =	vadd.f32 v3, v0;
	v3 =	vld.idx.msk [tilespmem:v6+s4+$0x0], $0xffff  }
0x61: {  	v6 =	vld [tilespmem:s26+$0x19080]  }
0x62: {  	v0 =	vadd.f32 v1, v0;
	v1 =	vld.idx.msk [tilespmem:v7+s4+$0x0], $0xffff  }
0x63: {  	v7 =	vld [tilespmem:s26+$0x19100]  }
0x64: {  	v0 =	vadd.f32 v2, v0;
	v2 =	vld.idx.msk [tilespmem:v8+s4+$0x0], $0xffff  }
0x65: {  	v8 =	vld [tilespmem:s26+$0x19180]  }
0x66: {  	v0 =	vadd.f32 v3, v0;
	v3 =	vld.idx.msk [tilespmem:v4+s4+$0x0], $0xffff  }
0x67: {  	v4 =	vld [tilespmem:s26+$0x19200]  }
0x68: {  	v0 =	vadd.f32 v1, v0;
	v1 =	vld.idx.msk [tilespmem:v5+s4+$0x0], $0xffff  }
0x69: {  	v5 =	vld [tilespmem:s26+$0x19280]  }
0x6a: {  	v0 =	vadd.f32 v2, v0;
	v2 =	vld.idx.msk [tilespmem:v6+s4+$0x0], $0xffff  }
0x6b: {  	v6 =	vld [tilespmem:s26+$0x19700]  }
0x6c: {  	v0 =	vadd.f32 v3, v0;
	v3 =	vld.idx.msk [tilespmem:v7+s4+$0x0], $0xffff  }
0x6d: {  	v7 =	vld [tilespmem:s26+$0x19780]  }
0x6e: {  	v0 =	vadd.f32 v1, v0;
	v1 =	vld.idx.msk [tilespmem:v8+s4+$0x0], $0xffff  }
0x6f: {  	v8 =	vld [tilespmem:s26+$0x19800]  }
0x70: {  	v0 =	vadd.f32 v2, v0;
	v2 =	vld.idx.msk [tilespmem:v4+s4+$0x0], $0xffff  }
0x71: {  	v4 =	vld [tilespmem:s26+$0x19880]  }
0x72: {  	v0 =	vadd.f32 v3, v0;
	v3 =	vld.idx.msk [tilespmem:v5+s4+$0x0], $0xffff;
	_ =	sdelay $0x1  }
0x73: {  	v0 =	vadd.f32 v1, v0;
	v1 =	vld.idx.msk [tilespmem:v6+s4+$0x0], $0xffff;
	_ =	sdelay $0x1  }
0x74: {  	v0 =	vadd.f32 v2, v0;
	v2 =	vld.idx.msk [tilespmem:v7+s4+$0x0], $0xffff;
	_ =	sdelay $0x1  }
0x75: {  	v0 =	vadd.f32 v3, v0;
	v3 =	vld.idx.msk [tilespmem:v8+s4+$0x0], $0xffff;
	_ =	sdelay $0x1  }
0x76: {  	v0 =	vadd.f32 v1, v0;
	v1 =	vld.idx.msk [tilespmem:v4+s4+$0x0], $0xffff;
	_ =	sdelay $0x1  }
0x77: {  	v0 =	vadd.f32 v2, v0  }
.Ltmp0:
0x78: {  	(pc) =	sbr.rel @p0 .LBB2_2-.Ltmp0, $3  }
0x79: {  	v0 =	vadd.f32 v3, v0;
	_ =	sdelay $0x1  }
0x7a: {  	s24 =	sadd.s32 $0x80, s24;
	s23 =	sadd.s32 $0x10, s23;
	v0 =	vadd.f32 v1, v0  }
0x7b: {  	s28 =	sand.u32 $0x400, s24;
	s26 =	sand.u32 $0x70, s25;
	s25 =	sadd.s32 $0x10, s25  }
0x7c: {  	s24 =	sor.u32 s26, s28;
	[tilespmem:s23+$0x0] =	vst v0  }
0x7d: {  	v0 =	vld [tilespmem:s24+$0x18700]  }
0x7e: {  	s25 =	sadd.s32 $0x18700, s24  }
0x7f: {  	v1 =	vld [tilespmem:s25+$0x80];
	_ =	sdelay $0x1  }
0x80: {  	v2 =	vld [tilespmem:s25+$0x100];
	_ =	sdelay $0x1  }
0x81: {  	v3 =	vld [tilespmem:s25+$0x180]  }
0x82: {  	v4 =	vld [tilespmem:s25+$0x200]  }
0x83: {  	v0 =	vld.idx.msk [tilespmem:v0+s4+$0x0], $0xffff  }
0x84: {  	v5 =	vld [tilespmem:s25+$0x280]  }
0x85: {  	v1 =	vld.idx.msk [tilespmem:v1+s4+$0x0], $0xffff  }
0x86: {  	v6 =	vld [tilespmem:s25+$0x300]  }
0x87: {  	v2 =	vld.idx.msk [tilespmem:v2+s4+$0x0], $0xffff  }
0x88: {  	v7 =	vld [tilespmem:s25+$0x380];
	v0 =	vadd.f32 $0.0e+00, v0  }
0x89: {  	v3 =	vld.idx.msk [tilespmem:v3+s4+$0x0], $0xffff  }
0x8a: {  	v8 =	vld [tilespmem:s24+$0x18F00];
	v0 =	vadd.f32 v1, v0  }
0x8b: {  	v1 =	vld.idx.msk [tilespmem:v4+s4+$0x0], $0xffff  }
0x8c: {  	v37 =	vld [tilespmem:s24+$0x18F80];
	v0 =	vadd.f32 v2, v0  }
0x8d: {  	v2 =	vld.idx.msk [tilespmem:v5+s4+$0x0], $0xffff  }
0x8e: {  	v38 =	vld [tilespmem:s24+$0x19000];
	v0 =	vadd.f32 v3, v0  }
0x8f: {  	v3 =	vld.idx.msk [tilespmem:v6+s4+$0x0], $0xffff  }
0x90: {  	v39 =	vld [tilespmem:s24+$0x19080];
	v0 =	vadd.f32 v1, v0  }
0x91: {  	v1 =	vld.idx.msk [tilespmem:v7+s4+$0x0], $0xffff  }
0x92: {  	v40 =	vld [tilespmem:s24+$0x19100];
	v0 =	vadd.f32 v2, v0  }
0x93: {  	v2 =	vld.idx.msk [tilespmem:v8+s4+$0x0], $0xffff  }
0x94: {  	v41 =	vld [tilespmem:s24+$0x19180];
	v0 =	vadd.f32 v3, v0  }
0x95: {  	v3 =	vld.idx.msk [tilespmem:v37+s4+$0x0], $0xffff  }
0x96: {  	v42 =	vld [tilespmem:s24+$0x19200];
	v0 =	vadd.f32 v1, v0  }
0x97: {  	v1 =	vld.idx.msk [tilespmem:v38+s4+$0x0], $0xffff  }
0x98: {  	v43 =	vld [tilespmem:s24+$0x19280];
	v0 =	vadd.f32 v2, v0  }
0x99: {  	v2 =	vld.idx.msk [tilespmem:v39+s4+$0x0], $0xffff  }
0x9a: {  	v44 =	vld [tilespmem:s24+$0x19700];
	v0 =	vadd.f32 v3, v0  }
0x9b: {  	v3 =	vld.idx.msk [tilespmem:v40+s4+$0x0], $0xffff  }
0x9c: {  	v45 =	vld [tilespmem:s24+$0x19780];
	v0 =	vadd.f32 v1, v0  }
0x9d: {  	v1 =	vld.idx.msk [tilespmem:v41+s4+$0x0], $0xffff  }
0x9e: {  	v46 =	vld [tilespmem:s24+$0x19800];
	v0 =	vadd.f32 v2, v0  }
0x9f: {  	v2 =	vld.idx.msk [tilespmem:v42+s4+$0x0], $0xffff  }
0xa0: {  	v47 =	vld [tilespmem:s24+$0x19880];
	v0 =	vadd.f32 v3, v0  }
0xa1: {  	v3 =	vld.idx.msk [tilespmem:v43+s4+$0x0], $0xffff  }
0xa2: {  	v0 =	vadd.f32 v1, v0  }
0xa3: {  	v1 =	vld.idx.msk [tilespmem:v44+s4+$0x0], $0xffff  }
0xa4: {  	v0 =	vadd.f32 v2, v0  }
0xa5: {  	v2 =	vld.idx.msk [tilespmem:v45+s4+$0x0], $0xffff  }
0xa6: {  	v0 =	vadd.f32 v3, v0  }
0xa7: {  	v3 =	vld.idx.msk [tilespmem:v46+s4+$0x0], $0xffff  }
0xa8: {  	v0 =	vadd.f32 v1, v0  }
0xa9: {  	v1 =	vld.idx.msk [tilespmem:v47+s4+$0x0], $0xffff  }
0xaa: {  	v0 =	vadd.f32 v2, v0;
	_ =	sdelay $0x1  }
0xab: {  	v0 =	vadd.f32 v3, v0;
	_ =	sdelay $0x1  }
0xac: {  	v0 =	vadd.f32 v1, v0  }
0xad: {  	s25 =	sadd.s32 $0x10, s23  }
0xae: {  	[tilespmem:s25+$0x0] =	vst v0  }
0xaf: {  	[tilespmem:s18], [sflag:$0x1] =	stream.strided.gather [hbm4b:s6+s16], $0x1800, s17, s16, $0x38;
	[tilespmem:$0x1AB00] =	vst v63  }
0xb0: {  	s24 =	simm.s32 $0x0;
	_ =	swait.ge [sflag:s15], $0x1800  }
0xb1: {  	s26 =	sand.u32 $0x70, s24;
	s30 =	sand.u32 $0x400, s24;
	[sflag:s15] =	ssyncset.done $0x0  }
0xb2: {  	s23 =	sor.u32 s26, s30;
	[sflag:s15] =	ssyncadd.s32 $0xFFFFE800  }
0xb3: {  	v0 =	vld [tilespmem:s23+$0x18700]  }
0xb4: {  	s25 =	sadd.s32 $0x18700, s23  }
0xb5: {  	v1 =	vld [tilespmem:s25+$0x80];
	_ =	sdelay $0x1  }
0xb6: {  	v2 =	vld [tilespmem:s25+$0x100];
	_ =	sdelay $0x1  }
0xb7: {  	v3 =	vld [tilespmem:s25+$0x180]  }
0xb8: {  	v48 =	vld [tilespmem:s25+$0x200]  }
0xb9: {  	v0 =	vld.idx.msk [tilespmem:v0+s4+$0x0], $0xffff  }
0xba: {  	v49 =	vld [tilespmem:s25+$0x280]  }
0xbb: {  	v1 =	vld.idx.msk [tilespmem:v1+s4+$0x0], $0xffff  }
0xbc: {  	s31 =	sor.u32 s24, s24;
	v50 =	vld [tilespmem:s25+$0x300]  }
0xbd: {  	s25 =	sor.u32 $0x380, s31;
	v2 =	vld.idx.msk [tilespmem:v2+s4+$0x0], $0xffff  }
0xbe: {  	v51 =	vld [tilespmem:s25+$0x18700];
	v0 =	vadd.f32 $0.0e+00, v0  }
0xbf: {  	v3 =	vld.idx.msk [tilespmem:v3+s4+$0x0], $0xffff  }
0xc0: {  	v52 =	vld [tilespmem:s23+$0x18F00];
	v0 =	vadd.f32 v1, v0  }
0xc1: {  	v1 =	vld.idx.msk [tilespmem:v48+s4+$0x0], $0xffff  }
0xc2: {  	v53 =	vld [tilespmem:s23+$0x18F80];
	v0 =	vadd.f32 v2, v0  }
0xc3: {  	v2 =	vld.idx.msk [tilespmem:v49+s4+$0x0], $0xffff  }
0xc4: {  	v54 =	vld [tilespmem:s23+$0x19000];
	v0 =	vadd.f32 v3, v0  }
0xc5: {  	v3 =	vld.idx.msk [tilespmem:v50+s4+$0x0], $0xffff  }
0xc6: {  	v55 =	vld [tilespmem:s23+$0x19080];
	v0 =	vadd.f32 v1, v0  }
0xc7: {  	v1 =	vld.idx.msk [tilespmem:v51+s4+$0x0], $0xffff  }
0xc8: {  	v56 =	vld [tilespmem:s23+$0x19100];
	v0 =	vadd.f32 v2, v0  }
0xc9: {  	v2 =	vld.idx.msk [tilespmem:v52+s4+$0x0], $0xffff  }
0xca: {  	v57 =	vld [tilespmem:s23+$0x19180];
	v0 =	vadd.f32 v3, v0  }
0xcb: {  	v3 =	vld.idx.msk [tilespmem:v53+s4+$0x0], $0xffff  }
0xcc: {  	v58 =	vld [tilespmem:s23+$0x19200];
	v0 =	vadd.f32 v1, v0  }
0xcd: {  	v1 =	vld.idx.msk [tilespmem:v54+s4+$0x0], $0xffff  }
0xce: {  	v59 =	vld [tilespmem:s23+$0x19280];
	v0 =	vadd.f32 v2, v0  }
0xcf: {  	v2 =	vld.idx.msk [tilespmem:v55+s4+$0x0], $0xffff  }
0xd0: {  	v60 =	vld [tilespmem:s23+$0x19700];
	v0 =	vadd.f32 v3, v0  }
0xd1: {  	v3 =	vld.idx.msk [tilespmem:v56+s4+$0x0], $0xffff  }
0xd2: {  	v61 =	vld [tilespmem:s23+$0x19780];
	v0 =	vadd.f32 v1, v0  }
0xd3: {  	v1 =	vld.idx.msk [tilespmem:v57+s4+$0x0], $0xffff  }
0xd4: {  	v62 =	vld [tilespmem:s23+$0x19800];
	v0 =	vadd.f32 v2, v0  }
0xd5: {  	v2 =	vld.idx.msk [tilespmem:v58+s4+$0x0], $0xffff  }
0xd6: {  	v63 =	vld [tilespmem:s23+$0x19880];
	v0 =	vadd.f32 v3, v0  }
0xd7: {  	v3 =	vld.idx.msk [tilespmem:v59+s4+$0x0], $0xffff  }
0xd8: {  	v0 =	vadd.f32 v1, v0  }
0xd9: {  	v1 =	vld.idx.msk [tilespmem:v60+s4+$0x0], $0xffff  }
0xda: {  	v0 =	vadd.f32 v2, v0  }
0xdb: {  	v2 =	vld.idx.msk [tilespmem:v61+s4+$0x0], $0xffff  }
0xdc: {  	v0 =	vadd.f32 v3, v0  }
0xdd: {  	v3 =	vld.idx.msk [tilespmem:v62+s4+$0x0], $0xffff  }
0xde: {  	v0 =	vadd.f32 v1, v0  }
0xdf: {  	v1 =	vld.idx.msk [tilespmem:v63+s4+$0x0], $0xffff  }
0xe0: {  	v0 =	vadd.f32 v2, v0;
	_ =	sdelay $0x1  }
0xe1: {  	v0 =	vadd.f32 v3, v0;
	_ =	sdelay $0x1  }
0xe2: {  	s28 =	sand.u32 $0xF0, s24;
	s24 =	simm.s32 $0x80;
	s23 =	simm.s32 $0x10;
	v0 =	vadd.f32 v1, v0  }
0xe3: {  	s29 =	sand.u32 $0x400, s24;
	s26 =	sand.u32 $0x70, s23;
	s25 =	simm.s32 $0x20  }
.LBB2_4:
0xe4: {  	p0 =	sne.s32 s25, $0xF0;
	s26 =	sor.u32 s26, s29;
	[tilespmem:s28+$0x1A400] =	vst v0  }
0xe5: {  	v0 =	vld [tilespmem:s26+$0x18700]  }
0xe6: {  	s28 =	sadd.s32 $0x18700, s26  }
0xe7: {  	v1 =	vld [tilespmem:s28+$0x80];
	_ =	sdelay $0x1  }
0xe8: {  	v2 =	vld [tilespmem:s28+$0x100];
	_ =	sdelay $0x1  }
0xe9: {  	v3 =	vld [tilespmem:s28+$0x180]  }
0xea: {  	v4 =	vld [tilespmem:s28+$0x200]  }
0xeb: {  	v0 =	vld.idx.msk [tilespmem:v0+s4+$0x0], $0xffff  }
0xec: {  	v5 =	vld [tilespmem:s28+$0x280]  }
0xed: {  	v1 =	vld.idx.msk [tilespmem:v1+s4+$0x0], $0xffff  }
0xee: {  	v6 =	vld [tilespmem:s28+$0x300];
	s28 =	sor.u32 s24, s23  }
0xef: {  	v2 =	vld.idx.msk [tilespmem:v2+s4+$0x0], $0xffff;
	s28 =	sor.u32 $0x380, s28  }
0xf0: {  	v7 =	vld [tilespmem:s28+$0x18700]  }
0xf1: {  	v0 =	vadd.f32 $0.0e+00, v0;
	v3 =	vld.idx.msk [tilespmem:v3+s4+$0x0], $0xffff  }
0xf2: {  	v8 =	vld [tilespmem:s26+$0x18F00]  }
0xf3: {  	v0 =	vadd.f32 v1, v0;
	v1 =	vld.idx.msk [tilespmem:v4+s4+$0x0], $0xffff  }
0xf4: {  	v4 =	vld [tilespmem:s26+$0x18F80]  }
0xf5: {  	v0 =	vadd.f32 v2, v0;
	v2 =	vld.idx.msk [tilespmem:v5+s4+$0x0], $0xffff  }
0xf6: {  	v5 =	vld [tilespmem:s26+$0x19000]  }
0xf7: {  	v0 =	vadd.f32 v3, v0;
	v3 =	vld.idx.msk [tilespmem:v6+s4+$0x0], $0xffff  }
0xf8: {  	v6 =	vld [tilespmem:s26+$0x19080]  }
0xf9: {  	v0 =	vadd.f32 v1, v0;
	v1 =	vld.idx.msk [tilespmem:v7+s4+$0x0], $0xffff  }
0xfa: {  	v7 =	vld [tilespmem:s26+$0x19100]  }
0xfb: {  	v0 =	vadd.f32 v2, v0;
	v2 =	vld.idx.msk [tilespmem:v8+s4+$0x0], $0xffff  }
0xfc: {  	v8 =	vld [tilespmem:s26+$0x19180]  }
0xfd: {  	v0 =	vadd.f32 v3, v0;
	v3 =	vld.idx.msk [tilespmem:v4+s4+$0x0], $0xffff  }
0xfe: {  	v4 =	vld [tilespmem:s26+$0x19200]  }
0xff: {  	v0 =	vadd.f32 v1, v0;
	v1 =	vld.idx.msk [tilespmem:v5+s4+$0x0], $0xffff  }
0x100: {  	v5 =	vld [tilespmem:s26+$0x19280]  }
0x101: {  	v0 =	vadd.f32 v2, v0;
	v2 =	vld.idx.msk [tilespmem:v6+s4+$0x0], $0xffff  }
0x102: {  	v6 =	vld [tilespmem:s26+$0x19700]  }
0x103: {  	v0 =	vadd.f32 v3, v0;
	v3 =	vld.idx.msk [tilespmem:v7+s4+$0x0], $0xffff  }
0x104: {  	v7 =	vld [tilespmem:s26+$0x19780]  }
0x105: {  	v0 =	vadd.f32 v1, v0;
	v1 =	vld.idx.msk [tilespmem:v8+s4+$0x0], $0xffff  }
0x106: {  	v8 =	vld [tilespmem:s26+$0x19800]  }
0x107: {  	v0 =	vadd.f32 v2, v0;
	v2 =	vld.idx.msk [tilespmem:v4+s4+$0x0], $0xffff  }
0x108: {  	v4 =	vld [tilespmem:s26+$0x19880]  }
0x109: {  	v0 =	vadd.f32 v3, v0;
	v3 =	vld.idx.msk [tilespmem:v5+s4+$0x0], $0xffff;
	_ =	sdelay $0x1  }
0x10a: {  	v0 =	vadd.f32 v1, v0;
	v1 =	vld.idx.msk [tilespmem:v6+s4+$0x0], $0xffff;
	_ =	sdelay $0x1  }
0x10b: {  	v0 =	vadd.f32 v2, v0;
	v2 =	vld.idx.msk [tilespmem:v7+s4+$0x0], $0xffff;
	_ =	sdelay $0x1  }
0x10c: {  	v0 =	vadd.f32 v3, v0;
	v3 =	vld.idx.msk [tilespmem:v8+s4+$0x0], $0xffff;
	_ =	sdelay $0x1  }
0x10d: {  	v0 =	vadd.f32 v1, v0;
	v1 =	vld.idx.msk [tilespmem:v4+s4+$0x0], $0xffff;
	_ =	sdelay $0x1  }
0x10e: {  	v0 =	vadd.f32 v2, v0  }
.Ltmp1:
0x10f: {  	(pc) =	sbr.rel @p0 .LBB2_4-.Ltmp1, $3  }
0x110: {  	v0 =	vadd.f32 v3, v0;
	_ =	sdelay $0x1  }
0x111: {  	s24 =	sadd.s32 $0x80, s24;
	s28 =	sand.u32 $0xF0, s23;
	s23 =	smov.u32 s25;
	v0 =	vadd.f32 v1, v0  }
0x112: {  	s29 =	sand.u32 $0x400, s24;
	s25 =	sadd.s32 $0x10, s25;
	s26 =	sand.u32 $0x70, s23  }
0x113: {  	s25 =	sor.u32 s26, s29;
	[tilespmem:s28+$0x1A400] =	vst v0  }
0x114: {  	v0 =	vld [tilespmem:s25+$0x18700]  }
0x115: {  	s26 =	sadd.s32 $0x18700, s25  }
0x116: {  	v1 =	vld [tilespmem:s26+$0x80];
	_ =	sdelay $0x1  }
0x117: {  	v2 =	vld [tilespmem:s26+$0x100];
	_ =	sdelay $0x1  }
0x118: {  	v3 =	vld [tilespmem:s26+$0x180]  }
0x119: {  	v4 =	vld [tilespmem:s26+$0x200]  }
0x11a: {  	v0 =	vld.idx.msk [tilespmem:v0+s4+$0x0], $0xffff  }
0x11b: {  	v5 =	vld [tilespmem:s26+$0x280]  }
0x11c: {  	v1 =	vld.idx.msk [tilespmem:v1+s4+$0x0], $0xffff  }
0x11d: {  	s24 =	sor.u32 s24, s23;
	v6 =	vld [tilespmem:s26+$0x300]  }
0x11e: {  	s24 =	sor.u32 $0x380, s24;
	v2 =	vld.idx.msk [tilespmem:v2+s4+$0x0], $0xffff  }
0x11f: {  	v7 =	vld [tilespmem:s24+$0x18700];
	v0 =	vadd.f32 $0.0e+00, v0  }
0x120: {  	v3 =	vld.idx.msk [tilespmem:v3+s4+$0x0], $0xffff  }
0x121: {  	v8 =	vld [tilespmem:s25+$0x18F00];
	v0 =	vadd.f32 v1, v0  }
0x122: {  	v1 =	vld.idx.msk [tilespmem:v4+s4+$0x0], $0xffff  }
0x123: {  	v37 =	vld [tilespmem:s25+$0x18F80];
	v0 =	vadd.f32 v2, v0  }
0x124: {  	v2 =	vld.idx.msk [tilespmem:v5+s4+$0x0], $0xffff  }
0x125: {  	v38 =	vld [tilespmem:s25+$0x19000];
	v0 =	vadd.f32 v3, v0  }
0x126: {  	v3 =	vld.idx.msk [tilespmem:v6+s4+$0x0], $0xffff  }
0x127: {  	v39 =	vld [tilespmem:s25+$0x19080];
	v0 =	vadd.f32 v1, v0  }
0x128: {  	v1 =	vld.idx.msk [tilespmem:v7+s4+$0x0], $0xffff  }
0x129: {  	v40 =	vld [tilespmem:s25+$0x19100];
	v0 =	vadd.f32 v2, v0  }
0x12a: {  	v2 =	vld.idx.msk [tilespmem:v8+s4+$0x0], $0xffff  }
0x12b: {  	v41 =	vld [tilespmem:s25+$0x19180];
	v0 =	vadd.f32 v3, v0  }
0x12c: {  	v3 =	vld.idx.msk [tilespmem:v37+s4+$0x0], $0xffff  }
0x12d: {  	v42 =	vld [tilespmem:s25+$0x19200];
	v0 =	vadd.f32 v1, v0  }
0x12e: {  	v1 =	vld.idx.msk [tilespmem:v38+s4+$0x0], $0xffff  }
0x12f: {  	v43 =	vld [tilespmem:s25+$0x19280];
	v0 =	vadd.f32 v2, v0  }
0x130: {  	v2 =	vld.idx.msk [tilespmem:v39+s4+$0x0], $0xffff  }
0x131: {  	v44 =	vld [tilespmem:s25+$0x19700];
	v0 =	vadd.f32 v3, v0  }
0x132: {  	v3 =	vld.idx.msk [tilespmem:v40+s4+$0x0], $0xffff  }
0x133: {  	v45 =	vld [tilespmem:s25+$0x19780];
	v0 =	vadd.f32 v1, v0  }
0x134: {  	v1 =	vld.idx.msk [tilespmem:v41+s4+$0x0], $0xffff  }
0x135: {  	v46 =	vld [tilespmem:s25+$0x19800];
	v0 =	vadd.f32 v2, v0  }
0x136: {  	v2 =	vld.idx.msk [tilespmem:v42+s4+$0x0], $0xffff  }
0x137: {  	v47 =	vld [tilespmem:s25+$0x19880];
	v0 =	vadd.f32 v3, v0  }
0x138: {  	v3 =	vld.idx.msk [tilespmem:v43+s4+$0x0], $0xffff  }
0x139: {  	v0 =	vadd.f32 v1, v0  }
0x13a: {  	v1 =	vld.idx.msk [tilespmem:v44+s4+$0x0], $0xffff  }
0x13b: {  	v0 =	vadd.f32 v2, v0  }
0x13c: {  	v2 =	vld.idx.msk [tilespmem:v45+s4+$0x0], $0xffff  }
0x13d: {  	v0 =	vadd.f32 v3, v0  }
0x13e: {  	v3 =	vld.idx.msk [tilespmem:v46+s4+$0x0], $0xffff  }
0x13f: {  	v0 =	vadd.f32 v1, v0  }
0x140: {  	v1 =	vld.idx.msk [tilespmem:v47+s4+$0x0], $0xffff  }
0x141: {  	v0 =	vadd.f32 v2, v0;
	_ =	sdelay $0x1  }
0x142: {  	v0 =	vadd.f32 v3, v0;
	_ =	sdelay $0x1  }
0x143: {  	v0 =	vadd.f32 v1, v0  }
0x144: {  	s25 =	sand.u32 $0xF0, s23  }
0x145: {  	[tilespmem:s25+$0x1A400] =	vst v0  }
0x146: {  	[tilespmem:s18], [sflag:$0x1] =	stream.strided.gather [hbm4b:s7+s16], $0x1800, s17, s16, $0x38;
	[tilespmem:$0x1AB00] =	vst v63  }
0x147: {  	s24 =	simm.s32 $0x0;
	_ =	swait.ge [sflag:s15], $0x1800  }
0x148: {  	s26 =	sand.u32 $0x70, s24;
	s30 =	sand.u32 $0x400, s24;
	[sflag:s15] =	ssyncset.done $0x0  }
0x149: {  	s23 =	sor.u32 s26, s30;
	[sflag:s15] =	ssyncadd.s32 $0xFFFFE800  }
0x14a: {  	v0 =	vld [tilespmem:s23+$0x18700]  }
0x14b: {  	s25 =	sadd.s32 $0x18700, s23  }
0x14c: {  	v1 =	vld [tilespmem:s25+$0x80];
	_ =	sdelay $0x1  }
0x14d: {  	v2 =	vld [tilespmem:s25+$0x100];
	_ =	sdelay $0x1  }
0x14e: {  	v3 =	vld [tilespmem:s25+$0x180]  }
0x14f: {  	v48 =	vld [tilespmem:s25+$0x200]  }
0x150: {  	v0 =	vld.idx.msk [tilespmem:v0+s4+$0x0], $0xffff  }
0x151: {  	v49 =	vld [tilespmem:s25+$0x280]  }
0x152: {  	v1 =	vld.idx.msk [tilespmem:v1+s4+$0x0], $0xffff  }
0x153: {  	s31 =	sor.u32 s24, s24;
	v50 =	vld [tilespmem:s25+$0x300]  }
0x154: {  	s25 =	sor.u32 $0x380, s31;
	v2 =	vld.idx.msk [tilespmem:v2+s4+$0x0], $0xffff  }
0x155: {  	v51 =	vld [tilespmem:s25+$0x18700];
	v0 =	vadd.f32 $0.0e+00, v0  }
0x156: {  	v3 =	vld.idx.msk [tilespmem:v3+s4+$0x0], $0xffff  }
0x157: {  	v52 =	vld [tilespmem:s23+$0x18F00];
	v0 =	vadd.f32 v1, v0  }
0x158: {  	v1 =	vld.idx.msk [tilespmem:v48+s4+$0x0], $0xffff  }
0x159: {  	v53 =	vld [tilespmem:s23+$0x18F80];
	v0 =	vadd.f32 v2, v0  }
0x15a: {  	v2 =	vld.idx.msk [tilespmem:v49+s4+$0x0], $0xffff  }
0x15b: {  	v54 =	vld [tilespmem:s23+$0x19000];
	v0 =	vadd.f32 v3, v0  }
0x15c: {  	v3 =	vld.idx.msk [tilespmem:v50+s4+$0x0], $0xffff  }
0x15d: {  	v55 =	vld [tilespmem:s23+$0x19080];
	v0 =	vadd.f32 v1, v0  }
0x15e: {  	v1 =	vld.idx.msk [tilespmem:v51+s4+$0x0], $0xffff  }
0x15f: {  	v56 =	vld [tilespmem:s23+$0x19100];
	v0 =	vadd.f32 v2, v0  }
0x160: {  	v2 =	vld.idx.msk [tilespmem:v52+s4+$0x0], $0xffff  }
0x161: {  	v57 =	vld [tilespmem:s23+$0x19180];
	v0 =	vadd.f32 v3, v0  }
0x162: {  	v3 =	vld.idx.msk [tilespmem:v53+s4+$0x0], $0xffff  }
0x163: {  	v58 =	vld [tilespmem:s23+$0x19200];
	v0 =	vadd.f32 v1, v0  }
0x164: {  	v1 =	vld.idx.msk [tilespmem:v54+s4+$0x0], $0xffff  }
0x165: {  	v59 =	vld [tilespmem:s23+$0x19280];
	v0 =	vadd.f32 v2, v0  }
0x166: {  	v2 =	vld.idx.msk [tilespmem:v55+s4+$0x0], $0xffff  }
0x167: {  	v60 =	vld [tilespmem:s23+$0x19700];
	v0 =	vadd.f32 v3, v0  }
0x168: {  	v3 =	vld.idx.msk [tilespmem:v56+s4+$0x0], $0xffff  }
0x169: {  	v61 =	vld [tilespmem:s23+$0x19780];
	v0 =	vadd.f32 v1, v0  }
0x16a: {  	v1 =	vld.idx.msk [tilespmem:v57+s4+$0x0], $0xffff  }
0x16b: {  	v62 =	vld [tilespmem:s23+$0x19800];
	v0 =	vadd.f32 v2, v0  }
0x16c: {  	v2 =	vld.idx.msk [tilespmem:v58+s4+$0x0], $0xffff  }
0x16d: {  	v63 =	vld [tilespmem:s23+$0x19880];
	v0 =	vadd.f32 v3, v0  }
0x16e: {  	v3 =	vld.idx.msk [tilespmem:v59+s4+$0x0], $0xffff  }
0x16f: {  	v0 =	vadd.f32 v1, v0  }
0x170: {  	v1 =	vld.idx.msk [tilespmem:v60+s4+$0x0], $0xffff  }
0x171: {  	v0 =	vadd.f32 v2, v0  }
0x172: {  	v2 =	vld.idx.msk [tilespmem:v61+s4+$0x0], $0xffff  }
0x173: {  	v0 =	vadd.f32 v3, v0  }
0x174: {  	v3 =	vld.idx.msk [tilespmem:v62+s4+$0x0], $0xffff  }
0x175: {  	v0 =	vadd.f32 v1, v0  }
0x176: {  	v1 =	vld.idx.msk [tilespmem:v63+s4+$0x0], $0xffff  }
0x177: {  	v0 =	vadd.f32 v2, v0;
	_ =	sdelay $0x1  }
0x178: {  	v0 =	vadd.f32 v3, v0;
	_ =	sdelay $0x1  }
0x179: {  	s28 =	sand.u32 $0xF0, s24;
	s24 =	simm.s32 $0x80;
	s23 =	simm.s32 $0x10;
	v0 =	vadd.f32 v1, v0  }
0x17a: {  	s29 =	sand.u32 $0x400, s24;
	s26 =	sand.u32 $0x70, s23;
	s25 =	simm.s32 $0x20  }
.LBB2_6:
0x17b: {  	p0 =	sne.s32 s25, $0xF0;
	s26 =	sor.u32 s26, s29;
	[tilespmem:s28+$0x1A500] =	vst v0  }
0x17c: {  	v0 =	vld [tilespmem:s26+$0x18700]  }
0x17d: {  	s28 =	sadd.s32 $0x18700, s26  }
0x17e: {  	v1 =	vld [tilespmem:s28+$0x80];
	_ =	sdelay $0x1  }
0x17f: {  	v2 =	vld [tilespmem:s28+$0x100];
	_ =	sdelay $0x1  }
0x180: {  	v3 =	vld [tilespmem:s28+$0x180]  }
0x181: {  	v4 =	vld [tilespmem:s28+$0x200]  }
0x182: {  	v0 =	vld.idx.msk [tilespmem:v0+s4+$0x0], $0xffff  }
0x183: {  	v5 =	vld [tilespmem:s28+$0x280]  }
0x184: {  	v1 =	vld.idx.msk [tilespmem:v1+s4+$0x0], $0xffff  }
0x185: {  	v6 =	vld [tilespmem:s28+$0x300];
	s28 =	sor.u32 s24, s23  }
0x186: {  	v2 =	vld.idx.msk [tilespmem:v2+s4+$0x0], $0xffff;
	s28 =	sor.u32 $0x380, s28  }
0x187: {  	v7 =	vld [tilespmem:s28+$0x18700]  }
0x188: {  	v0 =	vadd.f32 $0.0e+00, v0;
	v3 =	vld.idx.msk [tilespmem:v3+s4+$0x0], $0xffff  }
0x189: {  	v8 =	vld [tilespmem:s26+$0x18F00]  }
0x18a: {  	v0 =	vadd.f32 v1, v0;
	v1 =	vld.idx.msk [tilespmem:v4+s4+$0x0], $0xffff  }
0x18b: {  	v4 =	vld [tilespmem:s26+$0x18F80]  }
0x18c: {  	v0 =	vadd.f32 v2, v0;
	v2 =	vld.idx.msk [tilespmem:v5+s4+$0x0], $0xffff  }
0x18d: {  	v5 =	vld [tilespmem:s26+$0x19000]  }
0x18e: {  	v0 =	vadd.f32 v3, v0;
	v3 =	vld.idx.msk [tilespmem:v6+s4+$0x0], $0xffff  }
0x18f: {  	v6 =	vld [tilespmem:s26+$0x19080]  }
0x190: {  	v0 =	vadd.f32 v1, v0;
	v1 =	vld.idx.msk [tilespmem:v7+s4+$0x0], $0xffff  }
0x191: {  	v7 =	vld [tilespmem:s26+$0x19100]  }
0x192: {  	v0 =	vadd.f32 v2, v0;
	v2 =	vld.idx.msk [tilespmem:v8+s4+$0x0], $0xffff  }
0x193: {  	v8 =	vld [tilespmem:s26+$0x19180]  }
0x194: {  	v0 =	vadd.f32 v3, v0;
	v3 =	vld.idx.msk [tilespmem:v4+s4+$0x0], $0xffff  }
0x195: {  	v4 =	vld [tilespmem:s26+$0x19200]  }
0x196: {  	v0 =	vadd.f32 v1, v0;
	v1 =	vld.idx.msk [tilespmem:v5+s4+$0x0], $0xffff  }
0x197: {  	v5 =	vld [tilespmem:s26+$0x19280]  }
0x198: {  	v0 =	vadd.f32 v2, v0;
	v2 =	vld.idx.msk [tilespmem:v6+s4+$0x0], $0xffff  }
0x199: {  	v6 =	vld [tilespmem:s26+$0x19700]  }
0x19a: {  	v0 =	vadd.f32 v3, v0;
	v3 =	vld.idx.msk [tilespmem:v7+s4+$0x0], $0xffff  }
0x19b: {  	v7 =	vld [tilespmem:s26+$0x19780]  }
0x19c: {  	v0 =	vadd.f32 v1, v0;
	v1 =	vld.idx.msk [tilespmem:v8+s4+$0x0], $0xffff  }
0x19d: {  	v8 =	vld [tilespmem:s26+$0x19800]  }
0x19e: {  	v0 =	vadd.f32 v2, v0;
	v2 =	vld.idx.msk [tilespmem:v4+s4+$0x0], $0xffff  }
0x19f: {  	v4 =	vld [tilespmem:s26+$0x19880]  }
0x1a0: {  	v0 =	vadd.f32 v3, v0;
	v3 =	vld.idx.msk [tilespmem:v5+s4+$0x0], $0xffff;
	_ =	sdelay $0x1  }
0x1a1: {  	v0 =	vadd.f32 v1, v0;
	v1 =	vld.idx.msk [tilespmem:v6+s4+$0x0], $0xffff;
	_ =	sdelay $0x1  }
0x1a2: {  	v0 =	vadd.f32 v2, v0;
	v2 =	vld.idx.msk [tilespmem:v7+s4+$0x0], $0xffff;
	_ =	sdelay $0x1  }
0x1a3: {  	v0 =	vadd.f32 v3, v0;
	v3 =	vld.idx.msk [tilespmem:v8+s4+$0x0], $0xffff;
	_ =	sdelay $0x1  }
0x1a4: {  	v0 =	vadd.f32 v1, v0;
	v1 =	vld.idx.msk [tilespmem:v4+s4+$0x0], $0xffff;
	_ =	sdelay $0x1  }
0x1a5: {  	v0 =	vadd.f32 v2, v0  }
.Ltmp2:
0x1a6: {  	(pc) =	sbr.rel @p0 .LBB2_6-.Ltmp2, $3  }
0x1a7: {  	v0 =	vadd.f32 v3, v0;
	_ =	sdelay $0x1  }
0x1a8: {  	s24 =	sadd.s32 $0x80, s24;
	s28 =	sand.u32 $0xF0, s23;
	s23 =	smov.u32 s25;
	v0 =	vadd.f32 v1, v0  }
0x1a9: {  	s29 =	sand.u32 $0x400, s24;
	s25 =	sadd.s32 $0x10, s25;
	s26 =	sand.u32 $0x70, s23  }
0x1aa: {  	s25 =	sor.u32 s26, s29;
	[tilespmem:s28+$0x1A500] =	vst v0  }
0x1ab: {  	v0 =	vld [tilespmem:s25+$0x18700]  }
0x1ac: {  	s26 =	sadd.s32 $0x18700, s25  }
0x1ad: {  	v1 =	vld [tilespmem:s26+$0x80];
	_ =	sdelay $0x1  }
0x1ae: {  	v2 =	vld [tilespmem:s26+$0x100];
	_ =	sdelay $0x1  }
0x1af: {  	v3 =	vld [tilespmem:s26+$0x180]  }
0x1b0: {  	v4 =	vld [tilespmem:s26+$0x200]  }
0x1b1: {  	v0 =	vld.idx.msk [tilespmem:v0+s4+$0x0], $0xffff  }
0x1b2: {  	v5 =	vld [tilespmem:s26+$0x280]  }
0x1b3: {  	v1 =	vld.idx.msk [tilespmem:v1+s4+$0x0], $0xffff  }
0x1b4: {  	s24 =	sor.u32 s24, s23;
	v6 =	vld [tilespmem:s26+$0x300]  }
0x1b5: {  	s24 =	sor.u32 $0x380, s24;
	v2 =	vld.idx.msk [tilespmem:v2+s4+$0x0], $0xffff  }
0x1b6: {  	v7 =	vld [tilespmem:s24+$0x18700];
	v0 =	vadd.f32 $0.0e+00, v0  }
0x1b7: {  	v3 =	vld.idx.msk [tilespmem:v3+s4+$0x0], $0xffff  }
0x1b8: {  	v8 =	vld [tilespmem:s25+$0x18F00];
	v0 =	vadd.f32 v1, v0  }
0x1b9: {  	v1 =	vld.idx.msk [tilespmem:v4+s4+$0x0], $0xffff  }
0x1ba: {  	v37 =	vld [tilespmem:s25+$0x18F80];
	v0 =	vadd.f32 v2, v0  }
0x1bb: {  	v2 =	vld.idx.msk [tilespmem:v5+s4+$0x0], $0xffff  }
0x1bc: {  	v38 =	vld [tilespmem:s25+$0x19000];
	v0 =	vadd.f32 v3, v0  }
0x1bd: {  	v3 =	vld.idx.msk [tilespmem:v6+s4+$0x0], $0xffff  }
0x1be: {  	v39 =	vld [tilespmem:s25+$0x19080];
	v0 =	vadd.f32 v1, v0  }
0x1bf: {  	v1 =	vld.idx.msk [tilespmem:v7+s4+$0x0], $0xffff  }
0x1c0: {  	v40 =	vld [tilespmem:s25+$0x19100];
	v0 =	vadd.f32 v2, v0  }
0x1c1: {  	v2 =	vld.idx.msk [tilespmem:v8+s4+$0x0], $0xffff  }
0x1c2: {  	v41 =	vld [tilespmem:s25+$0x19180];
	v0 =	vadd.f32 v3, v0  }
0x1c3: {  	v3 =	vld.idx.msk [tilespmem:v37+s4+$0x0], $0xffff  }
0x1c4: {  	v42 =	vld [tilespmem:s25+$0x19200];
	v0 =	vadd.f32 v1, v0  }
0x1c5: {  	v1 =	vld.idx.msk [tilespmem:v38+s4+$0x0], $0xffff  }
0x1c6: {  	v43 =	vld [tilespmem:s25+$0x19280];
	v0 =	vadd.f32 v2, v0  }
0x1c7: {  	v2 =	vld.idx.msk [tilespmem:v39+s4+$0x0], $0xffff  }
0x1c8: {  	v44 =	vld [tilespmem:s25+$0x19700];
	v0 =	vadd.f32 v3, v0  }
0x1c9: {  	v3 =	vld.idx.msk [tilespmem:v40+s4+$0x0], $0xffff  }
0x1ca: {  	v45 =	vld [tilespmem:s25+$0x19780];
	v0 =	vadd.f32 v1, v0  }
0x1cb: {  	v1 =	vld.idx.msk [tilespmem:v41+s4+$0x0], $0xffff  }
0x1cc: {  	v46 =	vld [tilespmem:s25+$0x19800];
	v0 =	vadd.f32 v2, v0  }
0x1cd: {  	v2 =	vld.idx.msk [tilespmem:v42+s4+$0x0], $0xffff  }
0x1ce: {  	v47 =	vld [tilespmem:s25+$0x19880];
	v0 =	vadd.f32 v3, v0  }
0x1cf: {  	v3 =	vld.idx.msk [tilespmem:v43+s4+$0x0], $0xffff  }
0x1d0: {  	v0 =	vadd.f32 v1, v0  }
0x1d1: {  	v1 =	vld.idx.msk [tilespmem:v44+s4+$0x0], $0xffff  }
0x1d2: {  	v0 =	vadd.f32 v2, v0  }
0x1d3: {  	v2 =	vld.idx.msk [tilespmem:v45+s4+$0x0], $0xffff  }
0x1d4: {  	v0 =	vadd.f32 v3, v0  }
0x1d5: {  	v3 =	vld.idx.msk [tilespmem:v46+s4+$0x0], $0xffff  }
0x1d6: {  	v0 =	vadd.f32 v1, v0  }
0x1d7: {  	v1 =	vld.idx.msk [tilespmem:v47+s4+$0x0], $0xffff  }
0x1d8: {  	v0 =	vadd.f32 v2, v0;
	_ =	sdelay $0x1  }
0x1d9: {  	v0 =	vadd.f32 v3, v0;
	_ =	sdelay $0x1  }
0x1da: {  	v0 =	vadd.f32 v1, v0  }
0x1db: {  	s25 =	sand.u32 $0xF0, s23  }
0x1dc: {  	[tilespmem:s25+$0x1A500] =	vst v0  }
0x1dd: {  	[tilespmem:s18], [sflag:$0x1] =	stream.strided.gather [hbm4b:s8+s16], $0x1800, s17, s16, $0x38;
	[tilespmem:$0x1AB00] =	vst v63  }
0x1de: {  	s24 =	simm.s32 $0x0;
	_ =	swait.ge [sflag:s15], $0x1800  }
0x1df: {  	s26 =	sand.u32 $0x70, s24;
	s30 =	sand.u32 $0x400, s24;
	[sflag:s15] =	ssyncset.done $0x0  }
0x1e0: {  	s23 =	sor.u32 s26, s30;
	[sflag:s15] =	ssyncadd.s32 $0xFFFFE800  }
0x1e1: {  	v0 =	vld [tilespmem:s23+$0x18700]  }
0x1e2: {  	s25 =	sadd.s32 $0x18700, s23  }
0x1e3: {  	v1 =	vld [tilespmem:s25+$0x80];
	_ =	sdelay $0x1  }
0x1e4: {  	v2 =	vld [tilespmem:s25+$0x100];
	_ =	sdelay $0x1  }
0x1e5: {  	v3 =	vld [tilespmem:s25+$0x180]  }
0x1e6: {  	v48 =	vld [tilespmem:s25+$0x200]  }
0x1e7: {  	v0 =	vld.idx.msk [tilespmem:v0+s4+$0x0], $0xffff  }
0x1e8: {  	v49 =	vld [tilespmem:s25+$0x280]  }
0x1e9: {  	v1 =	vld.idx.msk [tilespmem:v1+s4+$0x0], $0xffff  }
0x1ea: {  	s31 =	sor.u32 s24, s24;
	v50 =	vld [tilespmem:s25+$0x300]  }
0x1eb: {  	s25 =	sor.u32 $0x380, s31;
	v2 =	vld.idx.msk [tilespmem:v2+s4+$0x0], $0xffff  }
0x1ec: {  	v51 =	vld [tilespmem:s25+$0x18700];
	v0 =	vadd.f32 $0.0e+00, v0  }
0x1ed: {  	v3 =	vld.idx.msk [tilespmem:v3+s4+$0x0], $0xffff  }
0x1ee: {  	v52 =	vld [tilespmem:s23+$0x18F00];
	v0 =	vadd.f32 v1, v0  }
0x1ef: {  	v1 =	vld.idx.msk [tilespmem:v48+s4+$0x0], $0xffff  }
0x1f0: {  	v53 =	vld [tilespmem:s23+$0x18F80];
	v0 =	vadd.f32 v2, v0  }
0x1f1: {  	v2 =	vld.idx.msk [tilespmem:v49+s4+$0x0], $0xffff  }
0x1f2: {  	v54 =	vld [tilespmem:s23+$0x19000];
	v0 =	vadd.f32 v3, v0  }
0x1f3: {  	v3 =	vld.idx.msk [tilespmem:v50+s4+$0x0], $0xffff  }
0x1f4: {  	v55 =	vld [tilespmem:s23+$0x19080];
	v0 =	vadd.f32 v1, v0  }
0x1f5: {  	v1 =	vld.idx.msk [tilespmem:v51+s4+$0x0], $0xffff  }
0x1f6: {  	v56 =	vld [tilespmem:s23+$0x19100];
	v0 =	vadd.f32 v2, v0  }
0x1f7: {  	v2 =	vld.idx.msk [tilespmem:v52+s4+$0x0], $0xffff  }
0x1f8: {  	v57 =	vld [tilespmem:s23+$0x19180];
	v0 =	vadd.f32 v3, v0  }
0x1f9: {  	v3 =	vld.idx.msk [tilespmem:v53+s4+$0x0], $0xffff  }
0x1fa: {  	v58 =	vld [tilespmem:s23+$0x19200];
	v0 =	vadd.f32 v1, v0  }
0x1fb: {  	v1 =	vld.idx.msk [tilespmem:v54+s4+$0x0], $0xffff  }
0x1fc: {  	v59 =	vld [tilespmem:s23+$0x19280];
	v0 =	vadd.f32 v2, v0  }
0x1fd: {  	v2 =	vld.idx.msk [tilespmem:v55+s4+$0x0], $0xffff  }
0x1fe: {  	v60 =	vld [tilespmem:s23+$0x19700];
	v0 =	vadd.f32 v3, v0  }
0x1ff: {  	v3 =	vld.idx.msk [tilespmem:v56+s4+$0x0], $0xffff  }
0x200: {  	v61 =	vld [tilespmem:s23+$0x19780];
	v0 =	vadd.f32 v1, v0  }
0x201: {  	v1 =	vld.idx.msk [tilespmem:v57+s4+$0x0], $0xffff  }
0x202: {  	v62 =	vld [tilespmem:s23+$0x19800];
	v0 =	vadd.f32 v2, v0  }
0x203: {  	v2 =	vld.idx.msk [tilespmem:v58+s4+$0x0], $0xffff  }
0x204: {  	v63 =	vld [tilespmem:s23+$0x19880];
	v0 =	vadd.f32 v3, v0  }
0x205: {  	v3 =	vld.idx.msk [tilespmem:v59+s4+$0x0], $0xffff  }
0x206: {  	v0 =	vadd.f32 v1, v0  }
0x207: {  	v1 =	vld.idx.msk [tilespmem:v60+s4+$0x0], $0xffff  }
0x208: {  	v0 =	vadd.f32 v2, v0  }
0x209: {  	v2 =	vld.idx.msk [tilespmem:v61+s4+$0x0], $0xffff  }
0x20a: {  	v0 =	vadd.f32 v3, v0  }
0x20b: {  	v3 =	vld.idx.msk [tilespmem:v62+s4+$0x0], $0xffff  }
0x20c: {  	v0 =	vadd.f32 v1, v0  }
0x20d: {  	v1 =	vld.idx.msk [tilespmem:v63+s4+$0x0], $0xffff  }
0x20e: {  	v0 =	vadd.f32 v2, v0;
	_ =	sdelay $0x1  }
0x20f: {  	v0 =	vadd.f32 v3, v0;
	_ =	sdelay $0x1  }
0x210: {  	s28 =	sand.u32 $0xF0, s24;
	s24 =	simm.s32 $0x80;
	s23 =	simm.s32 $0x10;
	v0 =	vadd.f32 v1, v0  }
0x211: {  	s29 =	sand.u32 $0x400, s24;
	s26 =	sand.u32 $0x70, s23;
	s25 =	simm.s32 $0x20  }
.LBB2_8:
0x212: {  	p0 =	sne.s32 s25, $0xF0;
	s26 =	sor.u32 s26, s29;
	[tilespmem:s28+$0x1A600] =	vst v0  }
0x213: {  	v0 =	vld [tilespmem:s26+$0x18700]  }
0x214: {  	s28 =	sadd.s32 $0x18700, s26  }
0x215: {  	v1 =	vld [tilespmem:s28+$0x80];
	_ =	sdelay $0x1  }
0x216: {  	v2 =	vld [tilespmem:s28+$0x100];
	_ =	sdelay $0x1  }
0x217: {  	v3 =	vld [tilespmem:s28+$0x180]  }
0x218: {  	v4 =	vld [tilespmem:s28+$0x200]  }
0x219: {  	v0 =	vld.idx.msk [tilespmem:v0+s4+$0x0], $0xffff  }
0x21a: {  	v5 =	vld [tilespmem:s28+$0x280]  }
0x21b: {  	v1 =	vld.idx.msk [tilespmem:v1+s4+$0x0], $0xffff  }
0x21c: {  	v6 =	vld [tilespmem:s28+$0x300];
	s28 =	sor.u32 s24, s23  }
0x21d: {  	v2 =	vld.idx.msk [tilespmem:v2+s4+$0x0], $0xffff;
	s28 =	sor.u32 $0x380, s28  }
0x21e: {  	v7 =	vld [tilespmem:s28+$0x18700]  }
0x21f: {  	v0 =	vadd.f32 $0.0e+00, v0;
	v3 =	vld.idx.msk [tilespmem:v3+s4+$0x0], $0xffff  }
0x220: {  	v8 =	vld [tilespmem:s26+$0x18F00]  }
0x221: {  	v0 =	vadd.f32 v1, v0;
	v1 =	vld.idx.msk [tilespmem:v4+s4+$0x0], $0xffff  }
0x222: {  	v4 =	vld [tilespmem:s26+$0x18F80]  }
0x223: {  	v0 =	vadd.f32 v2, v0;
	v2 =	vld.idx.msk [tilespmem:v5+s4+$0x0], $0xffff  }
0x224: {  	v5 =	vld [tilespmem:s26+$0x19000]  }
0x225: {  	v0 =	vadd.f32 v3, v0;
	v3 =	vld.idx.msk [tilespmem:v6+s4+$0x0], $0xffff  }
0x226: {  	v6 =	vld [tilespmem:s26+$0x19080]  }
0x227: {  	v0 =	vadd.f32 v1, v0;
	v1 =	vld.idx.msk [tilespmem:v7+s4+$0x0], $0xffff  }
0x228: {  	v7 =	vld [tilespmem:s26+$0x19100]  }
0x229: {  	v0 =	vadd.f32 v2, v0;
	v2 =	vld.idx.msk [tilespmem:v8+s4+$0x0], $0xffff  }
0x22a: {  	v8 =	vld [tilespmem:s26+$0x19180]  }
0x22b: {  	v0 =	vadd.f32 v3, v0;
	v3 =	vld.idx.msk [tilespmem:v4+s4+$0x0], $0xffff  }
0x22c: {  	v4 =	vld [tilespmem:s26+$0x19200]  }
0x22d: {  	v0 =	vadd.f32 v1, v0;
	v1 =	vld.idx.msk [tilespmem:v5+s4+$0x0], $0xffff  }
0x22e: {  	v5 =	vld [tilespmem:s26+$0x19280]  }
0x22f: {  	v0 =	vadd.f32 v2, v0;
	v2 =	vld.idx.msk [tilespmem:v6+s4+$0x0], $0xffff  }
0x230: {  	v6 =	vld [tilespmem:s26+$0x19700]  }
0x231: {  	v0 =	vadd.f32 v3, v0;
	v3 =	vld.idx.msk [tilespmem:v7+s4+$0x0], $0xffff  }
0x232: {  	v7 =	vld [tilespmem:s26+$0x19780]  }
0x233: {  	v0 =	vadd.f32 v1, v0;
	v1 =	vld.idx.msk [tilespmem:v8+s4+$0x0], $0xffff  }
0x234: {  	v8 =	vld [tilespmem:s26+$0x19800]  }
0x235: {  	v0 =	vadd.f32 v2, v0;
	v2 =	vld.idx.msk [tilespmem:v4+s4+$0x0], $0xffff  }
0x236: {  	v4 =	vld [tilespmem:s26+$0x19880]  }
0x237: {  	v0 =	vadd.f32 v3, v0;
	v3 =	vld.idx.msk [tilespmem:v5+s4+$0x0], $0xffff;
	_ =	sdelay $0x1  }
0x238: {  	v0 =	vadd.f32 v1, v0;
	v1 =	vld.idx.msk [tilespmem:v6+s4+$0x0], $0xffff;
	_ =	sdelay $0x1  }
0x239: {  	v0 =	vadd.f32 v2, v0;
	v2 =	vld.idx.msk [tilespmem:v7+s4+$0x0], $0xffff;
	_ =	sdelay $0x1  }
0x23a: {  	v0 =	vadd.f32 v3, v0;
	v3 =	vld.idx.msk [tilespmem:v8+s4+$0x0], $0xffff;
	_ =	sdelay $0x1  }
0x23b: {  	v0 =	vadd.f32 v1, v0;
	v1 =	vld.idx.msk [tilespmem:v4+s4+$0x0], $0xffff;
	_ =	sdelay $0x1  }
0x23c: {  	v0 =	vadd.f32 v2, v0  }
.Ltmp3:
0x23d: {  	(pc) =	sbr.rel @p0 .LBB2_8-.Ltmp3, $3  }
0x23e: {  	v0 =	vadd.f32 v3, v0;
	_ =	sdelay $0x1  }
0x23f: {  	s24 =	sadd.s32 $0x80, s24;
	s28 =	sand.u32 $0xF0, s23;
	s23 =	smov.u32 s25;
	v0 =	vadd.f32 v1, v0  }
0x240: {  	s29 =	sand.u32 $0x400, s24;
	s25 =	sadd.s32 $0x10, s25;
	s26 =	sand.u32 $0x70, s23  }
0x241: {  	s25 =	sor.u32 s26, s29;
	[tilespmem:s28+$0x1A600] =	vst v0  }
0x242: {  	v0 =	vld [tilespmem:s25+$0x18700]  }
0x243: {  	s26 =	sadd.s32 $0x18700, s25  }
0x244: {  	v1 =	vld [tilespmem:s26+$0x80];
	_ =	sdelay $0x1  }
0x245: {  	v2 =	vld [tilespmem:s26+$0x100];
	_ =	sdelay $0x1  }
0x246: {  	v3 =	vld [tilespmem:s26+$0x180]  }
0x247: {  	v4 =	vld [tilespmem:s26+$0x200]  }
0x248: {  	v0 =	vld.idx.msk [tilespmem:v0+s4+$0x0], $0xffff  }
0x249: {  	v5 =	vld [tilespmem:s26+$0x280]  }
0x24a: {  	v1 =	vld.idx.msk [tilespmem:v1+s4+$0x0], $0xffff  }
0x24b: {  	s24 =	sor.u32 s24, s23;
	v6 =	vld [tilespmem:s26+$0x300]  }
0x24c: {  	s24 =	sor.u32 $0x380, s24;
	v2 =	vld.idx.msk [tilespmem:v2+s4+$0x0], $0xffff  }
0x24d: {  	v7 =	vld [tilespmem:s24+$0x18700];
	v0 =	vadd.f32 $0.0e+00, v0  }
0x24e: {  	v3 =	vld.idx.msk [tilespmem:v3+s4+$0x0], $0xffff  }
0x24f: {  	v8 =	vld [tilespmem:s25+$0x18F00];
	v0 =	vadd.f32 v1, v0  }
0x250: {  	v1 =	vld.idx.msk [tilespmem:v4+s4+$0x0], $0xffff  }
0x251: {  	v53 =	vld [tilespmem:s25+$0x18F80];
	v0 =	vadd.f32 v2, v0  }
0x252: {  	v2 =	vld.idx.msk [tilespmem:v5+s4+$0x0], $0xffff  }
0x253: {  	v54 =	vld [tilespmem:s25+$0x19000];
	v0 =	vadd.f32 v3, v0  }
0x254: {  	v3 =	vld.idx.msk [tilespmem:v6+s4+$0x0], $0xffff  }
0x255: {  	v55 =	vld [tilespmem:s25+$0x19080];
	v0 =	vadd.f32 v1, v0  }
0x256: {  	v1 =	vld.idx.msk [tilespmem:v7+s4+$0x0], $0xffff  }
0x257: {  	v56 =	vld [tilespmem:s25+$0x19100];
	v0 =	vadd.f32 v2, v0  }
0x258: {  	v2 =	vld.idx.msk [tilespmem:v8+s4+$0x0], $0xffff  }
0x259: {  	v57 =	vld [tilespmem:s25+$0x19180];
	v0 =	vadd.f32 v3, v0  }
0x25a: {  	v3 =	vld.idx.msk [tilespmem:v53+s4+$0x0], $0xffff  }
0x25b: {  	v58 =	vld [tilespmem:s25+$0x19200];
	v0 =	vadd.f32 v1, v0  }
0x25c: {  	v1 =	vld.idx.msk [tilespmem:v54+s4+$0x0], $0xffff  }
0x25d: {  	v59 =	vld [tilespmem:s25+$0x19280];
	v0 =	vadd.f32 v2, v0  }
0x25e: {  	v2 =	vld.idx.msk [tilespmem:v55+s4+$0x0], $0xffff  }
0x25f: {  	v60 =	vld [tilespmem:s25+$0x19700];
	v0 =	vadd.f32 v3, v0  }
0x260: {  	v3 =	vld.idx.msk [tilespmem:v56+s4+$0x0], $0xffff  }
0x261: {  	v61 =	vld [tilespmem:s25+$0x19780];
	v0 =	vadd.f32 v1, v0  }
0x262: {  	v1 =	vld.idx.msk [tilespmem:v57+s4+$0x0], $0xffff  }
0x263: {  	v62 =	vld [tilespmem:s25+$0x19800];
	v0 =	vadd.f32 v2, v0  }
0x264: {  	v2 =	vld.idx.msk [tilespmem:v58+s4+$0x0], $0xffff  }
0x265: {  	v63 =	vld [tilespmem:s25+$0x19880];
	v0 =	vadd.f32 v3, v0  }
0x266: {  	v3 =	vld.idx.msk [tilespmem:v59+s4+$0x0], $0xffff  }
0x267: {  	v0 =	vadd.f32 v1, v0  }
0x268: {  	v1 =	vld.idx.msk [tilespmem:v60+s4+$0x0], $0xffff  }
0x269: {  	v0 =	vadd.f32 v2, v0  }
0x26a: {  	v2 =	vld.idx.msk [tilespmem:v61+s4+$0x0], $0xffff  }
0x26b: {  	v0 =	vadd.f32 v3, v0  }
0x26c: {  	v3 =	vld.idx.msk [tilespmem:v62+s4+$0x0], $0xffff  }
0x26d: {  	v0 =	vadd.f32 v1, v0  }
0x26e: {  	v1 =	vld.idx.msk [tilespmem:v63+s4+$0x0], $0xffff  }
0x26f: {  	v0 =	vadd.f32 v2, v0;
	_ =	sdelay $0x1  }
0x270: {  	v0 =	vadd.f32 v3, v0;
	_ =	sdelay $0x1  }
0x271: {  	v0 =	vadd.f32 v1, v0  }
0x272: {  	s30 =	sand.u32 $0xF0, s23  }
0x273: {  	s31 =	simm.s32 $0x0;
	[tilespmem:s30+$0x1A600] =	vst v0  }
0x274: {  	[tilespmem:s31], [sflag:$0x1] =	stream.strided.gather [hbm4b:s9+s13], $0x18700, s14, s13, $0x38;
	[tilespmem:$0x1AB00] =	vst v63  }
0x275: {  	_ =	swait.ge [sflag:s15], $0x18700  }
0x276: {  	[sflag:s15] =	ssyncset.done $0x0  }
0x277: {  	[sflag:s15] =	ssyncadd.s32 $0xFFFE7900  }
0x278: {  	[tilespmem:s19], [sflag:$0x1] =	stream.linear.gather [hbm4b:s2+s31], $0x400, $0x38;
	[tilespmem:$0x1AB00] =	vst v63  }
0x279: {  	_ =	swait.ge [sflag:s15], $0x400  }
0x27a: {  	[sflag:s15] =	ssyncset.done $0x0  }
0x27b: {  	s23 =	simm.s32 $0x0;
	[sflag:s15] =	ssyncadd.s32 $0xFFFFFC00  }
0x27c: {  	v1 =	vld [tilespmem:s23+$0x19F00];
	_ =	sdelay $0x6  }
0x27d: {  	v0 =	vld [tilespmem:s23+$0x1A300]  }
0x27e: {  	s25 =	simm.s32 $0x80;
	s24 =	simm.s32 $0x10;
	v1 =	vld.idx.msk [tilespmem:v1+s4+$0x0], $0xffff  }
.LBB2_10:
0x27f: {  	p0 =	sne.s32 s25, $0xFC0;
	v2 =	vld [tilespmem:s24+$0x19F00];
	_ =	sdelay $0x3  }
.Ltmp4:
0x280: {  	(pc) =	sbr.rel @p0 .LBB2_10-.Ltmp4, $3  }
0x281: {  	v1 =	vmul.f32 v0, v1;
	_ =	sdelay $0x1  }
0x282: {  	v0 =	vld [tilespmem:s24+$0x1A300];
	[tilespmem:s23+$0x1A700] =	vst v1;
	s23 =	smov.u32 s24  }
0x283: {  	s24 =	sshra.s32 s25, $0x2;
	s25 =	sadd.s32 $0x40, s25;
	v1 =	vld.idx.msk [tilespmem:v2+s4+$0x0], $0xffff  }
0x284: {  	v2 =	vld [tilespmem:s24+$0x19F00];
	_ =	sdelay $0x4  }
0x285: {  	v0 =	vmul.f32 v0, v1;
	_ =	sdelay $0x1  }
0x286: {  	v63 =	vld [tilespmem:s24+$0x1A300];
	[tilespmem:s23+$0x1A700] =	vst v0  }
0x287: {  	v0 =	vld.idx.msk [tilespmem:v2+s4+$0x0], $0xffff;
	_ =	sdelay $0x4  }
0x288: {  	v0 =	vmul.f32 v63, v0;
	_ =	sdelay $0x1  }
0x289: {  	[tilespmem:s24+$0x1A700] =	vst v0  }
0x28a: {  	[hbm4b:s10+s13] =	stream.strided.scatter [tilespmem:s20], [sflag:$0x1], $0x400, s14, s13, $0x38;
	[tilespmem:$0x1AB00] =	vst v63  }
0x28b: {  	s22 =	sadd.s32 $0x1, s22;
	_ =	swait.ge [sflag:s15], $0x400  }
0x28c: {  	p0 =	sne.s32 s22, s12;
	[sflag:s15] =	ssyncset.done $0x0  }
.Ltmp5:
0x28d: {  	[sflag:s15] =	ssyncadd.s32 $0xFFFFFC00;
	(pc) =	sbr.rel @p0 .LBB2_1-.Ltmp5, $4  }
0x28e: {  	[hbm4b:s11+s13] =	stream.strided.scatter [tilespmem:s21], [sflag:$0x1], $0x400, s14, s13, $0x38;
	[tilespmem:$0x1AB00] =	vst v63  }
0x28f: {  	_ =	swait.ge [sflag:s15], $0x400  }
0x290: {  	[sflag:s15] =	ssyncset.done $0x0  }
0x291: {  	[sflag:s15] =	ssyncadd.s32 $0xFFFFFC00  }
0x292: {  	_ =	sfence.sel $0x180000  }
0x293: {  	[bflag:$0x0] =	sbarrier.arrive $0xFFFF  }
0x294: {  	p0 =	sne.s32 s3, $0x0;
	_ =	strace $0x90000047  }
0x295: {  	s0 =	sadd.s32 @!p0 $0x100000, s0;
	[bflag:$0x2] =	sbarrier.arrive $0xFFFF  }
0x296: {  	[sflag:s0] =	ssyncadd.tile.s32 @!p0 $0x1;
	_ =	shalt  }
.Lfunc_end2:
_tile_overlayer_lowered:
.L_overlay_start_2:
0x297: {  	(tag) =	ssettag $0x2  }
0x298: {  	s0 =	rddreg [dreg:$0x0];
	s2 =	stileid.u32  }
0x299: {  	s1 =	rddreg [dreg:$0x1];
	p0 =	sne.s32 s2, $0x0  }
0x29a: {  	s3 =	rddreg [dreg:$0x2];
	[bflag:$0x3] =	sbarrier.arrive $0xFFFF;
	s2 =	simm.s32 @!p0 $0x1C01  }
0x29b: {  	[timem:s3], [sflag:s2] =	dma.local @!p0 [hbm:s0], s1  }
0x29c: {  	s0 =	simm.s32 @!p0 $0x1  }
0x29d: {  	_ =	swait.ge @!p0 [sflag:s0], s1  }
0x29e: {  	s1 =	ssub.s32 @!p0 $0x0, s1;
	[sflag:s0] =	ssyncset.done @!p0 $0x0  }
0x29f: {  	[sflag:s0] =	ssyncadd.s32 @!p0 s1  }
0x2a0: {  	[bflag:$0x3] =	sbarrier.arrive $0xFFFF  }
0x2a1: {  	_ =	shalt  }

</sc_bundles>
